<compile_context>
chip_gen: v7x
topology: tpu7x:2x2x1
jax: 0.10.2.dev20260603
libtpu: 0.0.44.dev20260713+nightly
codegen_flags: <defaults>
</compile_context>

<pallas_src>
import jax
import jax.numpy as jnp
from jax import lax
from jax.experimental import pallas as pl
from jax.experimental.pallas import tpu as pltpu
from jax.experimental.pallas import tpu_sc as plsc

N = 10000
F = 128
E = 320000
NC = 2
NS = 16
NW = NC * NS
PW = E // NW
C = 50
NCHUNK = PW // C
RB = 624
SC = 20
NSUP = NCHUNK // SC
ZR = 16
DW = 16
BLK = 1000


def _mesh():
    return plsc.VectorSubcoreMesh(
        core_axis_name="c", subcore_axis_name="s",
        num_cores=NC, num_subcores=NS)



def _deg_body(dst_hbm, out_hbm, didx, ones, zerod, accd, sem):
    c = lax.axis_index("c")
    s = lax.axis_index("s")
    w = c * NS + s
    onev = jnp.ones((16,), jnp.float32)
    zv = jnp.zeros((16,), jnp.float32)

    def fill_ones(i, carry):
        ones[i, :] = onev
        return carry
    lax.fori_loop(0, C, fill_ones, 0)

    def fill_zero(i, carry):
        zerod[i, :] = zv
        return carry
    lax.fori_loop(0, ZR, fill_zero, 0)
    n_init = RB // ZR + jnp.where(s == NS - 1, (N - NS * RB) // ZR, 0)

    def init(j, carry):
        pltpu.sync_copy(zerod, accd.at[pl.ds(s * RB + j * ZR, ZR)])
        return carry
    lax.fori_loop(0, n_init, init, 0)
    plsc.subcore_barrier()

    def sup(u, carry):
        pltpu.sync_copy(dst_hbm.at[w * NSUP + u], didx)

        def chunk(j, carry2):
            pltpu.async_copy(ones, accd.at[didx.at[j]], sem, add=True).wait()
            return carry2
        return lax.fori_loop(0, SC, chunk, carry)
    lax.fori_loop(0, NSUP, sup, 0)
    plsc.subcore_barrier()
    pltpu.sync_copy(accd.at[pl.ds(s * RB, RB)],
                    out_hbm.at[c, pl.ds(s * RB, RB)])

    @pl.when(s == NS - 1)
    def _():
        pltpu.sync_copy(accd.at[pl.ds(NS * RB, N - NS * RB)],
                        out_hbm.at[c, pl.ds(NS * RB, N - NS * RB)])


def _agg_body(z_hbm, src_hbm, dst_hbm, out_hbm,
              sidx, didx, rows0, rows1, rows2, rows3, zerov, accsh,
              isem, gsem0, gsem1, gsem2, gsem3, ssem0):
    c = lax.axis_index("c")
    s = lax.axis_index("s")
    w = c * NS + s
    zv = jnp.zeros((16,), jnp.float32)

    def fill_zero(i, carry):
        for j in range(F // 16):
            zerov[i, pl.ds(j * 16, 16)] = zv
        return carry
    lax.fori_loop(0, ZR, fill_zero, 0)
    n_init = RB // ZR + jnp.where(s == NS - 1, (N - NS * RB) // ZR, 0)

    def init(j, carry):
        pltpu.sync_copy(zerov, accsh.at[pl.ds(s * RB + j * ZR, ZR)])
        return carry
    lax.fori_loop(0, n_init, init, 0)
    plsc.subcore_barrier()

    def refill(u):
        pltpu.sync_copy(src_hbm.at[w * NSUP + u], sidx)
        pltpu.sync_copy(dst_hbm.at[w * NSUP + u], didx)

    def issue_gather(kk):
        jn = kk % SC
        for p in (0, 1):
            @pl.when(kk % 2 == p)
            def _(p=p):
                pltpu.async_copy(z_hbm.at[sidx.at[jn]], rows[p], gsem[p])

    def wait_g(buf, sem):
        pltpu.make_async_copy(z_hbm.at[sidx.at[0]], buf, sem).wait()

    def issue_g(j, buf, sem):
        pltpu.async_copy(z_hbm.at[sidx.at[j]], buf, sem)

    def scatter(j, buf):
        pltpu.async_copy(buf, accsh.at[didx.at[j]], ssem0, add=True).wait()

    def sup(u, carry):
        refill(u)

        def chunk(j, carry2):
            issue_g(j, rows0, gsem0)
            wait_g(rows0, gsem0)
            scatter(j, rows0)
            return carry2
        return lax.fori_loop(0, SC, chunk, carry)
    lax.fori_loop(0, NSUP, sup, 0)
    plsc.subcore_barrier()
    pltpu.sync_copy(accsh.at[pl.ds(s * RB, RB)],
                    out_hbm.at[c, pl.ds(s * RB, RB)])

    @pl.when(s == NS - 1)
    def _():
        pltpu.sync_copy(accsh.at[pl.ds(NS * RB, N - NS * RB)],
                        out_hbm.at[c, pl.ds(NS * RB, N - NS * RB)])


def _deg_call(dst):
    return pl.kernel(
        _deg_body,
        out_type=jax.ShapeDtypeStruct((NC, N, DW), jnp.float32),
        mesh=_mesh(),
        scratch_types=[
            pltpu.VMEM((SC, C), jnp.int32),
            pltpu.VMEM((C, DW), jnp.float32),
            pltpu.VMEM((ZR, DW), jnp.float32),
            pltpu.VMEM_SHARED((N, DW), jnp.float32),
            pltpu.SemaphoreType.DMA,
        ],
    )(dst)


def _agg_call(z, src, dst):
    return pl.kernel(
        _agg_body,
        out_type=jax.ShapeDtypeStruct((NC, N, F), jnp.float32),
        mesh=_mesh(),
        scratch_types=[
            pltpu.VMEM((SC, C), jnp.int32),
            pltpu.VMEM((SC, C), jnp.int32),
            pltpu.VMEM((C, F), jnp.float32),
            pltpu.VMEM((C, F), jnp.float32),
            pltpu.VMEM((C, F), jnp.float32),
            pltpu.VMEM((C, F), jnp.float32),
            pltpu.VMEM((ZR, F), jnp.float32),
            pltpu.VMEM_SHARED((N, F), jnp.float32),
        ] + [pltpu.SemaphoreType.DMA] * 6,
    )(z, src, dst)



def _dis(p0_ref, p1_ref):
    deg = 1.0 + p0_ref[0][:, 0:1] + p1_ref[0][:, 0:1]
    return lax.rsqrt(deg)


def _mm1_body(x_ref, w_ref, p0_ref, p1_ref, z_ref):
    dis = _dis(p0_ref, p1_ref)
    y = jnp.dot(x_ref[:], w_ref[:], preferred_element_type=jnp.float32)
    z_ref[:] = y * dis


def _mid_body(a0_ref, a1_ref, z1_ref, p0_ref, p1_ref, b_ref, w_ref, z2_ref):
    dis = _dis(p0_ref, p1_ref)
    h = (a0_ref[0] + a1_ref[0] + z1_ref[:]) * dis + b_ref[:]
    h = jnp.maximum(h, 0.0)
    y = jnp.dot(h, w_ref[:], preferred_element_type=jnp.float32)
    z2_ref[:] = y * dis


def _fin_body(a0_ref, a1_ref, z2_ref, p0_ref, p1_ref, b_ref, mu_ref, ls_ref):
    dis = _dis(p0_ref, p1_ref)
    o = (a0_ref[0] + a1_ref[0] + z2_ref[:]) * dis + b_ref[:]
    mu_ref[:] = o[:, :F // 2]
    ls_ref[:] = o[:, F // 2:]


_row_spec = pl.BlockSpec((BLK, F), lambda i: (i, 0))
_par0_spec = pl.BlockSpec((1, BLK, F), lambda i: (0, i, 0))
_par1_spec = pl.BlockSpec((1, BLK, F), lambda i: (1, i, 0))
_deg0_spec = pl.BlockSpec((1, BLK, DW), lambda i: (0, i, 0))
_deg1_spec = pl.BlockSpec((1, BLK, DW), lambda i: (1, i, 0))
_mat_spec = pl.BlockSpec((F, F), lambda i: (0, 0))
_bias_spec = pl.BlockSpec((1, F), lambda i: (0, 0))
_half_spec = pl.BlockSpec((BLK, F // 2), lambda i: (i, 0))
_out_sds = jax.ShapeDtypeStruct((N, F), jnp.float32)


def _mm1_call(x, W1, degp):
    return pl.pallas_call(
        _mm1_body, grid=(N // BLK,),
        in_specs=[_row_spec, _mat_spec, _deg0_spec, _deg1_spec],
        out_specs=_row_spec, out_shape=_out_sds,
    )(x, W1, degp, degp)


def _mid_call(a, z1, degp, b, Wc):
    return pl.pallas_call(
        _mid_body, grid=(N // BLK,),
        in_specs=[_par0_spec, _par1_spec, _row_spec, _deg0_spec, _deg1_spec,
                  _bias_spec, _mat_spec],
        out_specs=_row_spec, out_shape=_out_sds,
    )(a, a, z1, degp, degp, b, Wc)


def _fin_call(a, z2, degp, b):
    return pl.pallas_call(
        _fin_body, grid=(N // BLK,),
        in_specs=[_par0_spec, _par1_spec, _row_spec, _deg0_spec, _deg1_spec,
                  _bias_spec],
        out_specs=[_half_spec, _half_spec],
        out_shape=(jax.ShapeDtypeStruct((N, F // 2), jnp.float32),
                   jax.ShapeDtypeStruct((N, F // 2), jnp.float32)),
    )(a, a, z2, degp, degp, b)



def kernel(x, edge_index, W1, b1, W_mu, b_mu, W_ls, b_ls):
    src = edge_index[0].astype(jnp.int32).reshape(NW * NSUP, SC, C)
    dst = edge_index[1].astype(jnp.int32).reshape(NW * NSUP, SC, C)

    degp = _deg_call(dst)

    Wc = jnp.concatenate([W_mu, W_ls], axis=1)
    b1r = b1.reshape(1, F)
    bcr = jnp.concatenate([b_mu, b_ls]).reshape(1, F)

    z1 = _mm1_call(x, W1, degp)
    a1 = _agg_call(z1, src, dst)
    z2 = _mid_call(a1, z1, degp, b1r, Wc)
    a2 = _agg_call(z2, src, dst)
    mu, ls = _fin_call(a2, z2, degp, bcr)
    return mu, ls

# --- scband reference (transcript-rebuilt; emitter-appended) ---
"""Pipeline reference for scband-encoder-15951508538252 (READ-ONLY COPY).

The authoritative reference and input builder live on the scoring server;
editing this copy changes nothing except your own understanding.
"""

import jax, jax.numpy as jnp
import numpy as np

N_NODES = 10000
IN_CH = 128
HID_CH = 128
OUT_CH = 64
N_EDGES = 320000


def gcn_conv(x, edge_index, W, b):
    N = x.shape[0]
    src = edge_index[0]
    dst = edge_index[1]
    # add self loops (PyG GCNConv default add_self_loops=True)
    loop = jnp.arange(N, dtype=src.dtype)
    src = jnp.concatenate([src, loop])
    dst = jnp.concatenate([dst, loop])
    # linear transform first (PyG applies lin before propagate)
    h = x @ W
    # symmetric normalization from in-degree over augmented edges
    deg = jnp.zeros((N,), dtype=x.dtype).at[dst].add(1.0)
    deg_inv_sqrt = jnp.where(deg > 0, jax.lax.rsqrt(deg), 0.0)
    norm = deg_inv_sqrt[src] * deg_inv_sqrt[dst]
    msg = h[src] * norm[:, None]
    out = jnp.zeros((N, W.shape[1]), dtype=x.dtype).at[dst].add(msg)
    return out + b


def setup_inputs(seed: int = 0) -> dict:
    key = jax.random.key(seed)
    k_x, k_e, k1, k2, k3 = jax.random.split(key, 5)
    x = jax.random.normal(k_x, (N_NODES, IN_CH), dtype=jnp.float32)
    edge_index = jax.random.randint(k_e, (2, N_EDGES), 0, N_NODES, dtype=jnp.int64)
    W1 = jax.random.normal(k1, (IN_CH, HID_CH), dtype=jnp.float32) * (1.0 / np.sqrt(IN_CH))
    b1 = jnp.zeros((HID_CH,), dtype=jnp.float32)
    W_mu = jax.random.normal(k2, (HID_CH, OUT_CH), dtype=jnp.float32) * (1.0 / np.sqrt(HID_CH))
    b_mu = jnp.zeros((OUT_CH,), dtype=jnp.float32)
    W_ls = jax.random.normal(k3, (HID_CH, OUT_CH), dtype=jnp.float32) * (1.0 / np.sqrt(HID_CH))
    b_ls = jnp.zeros((OUT_CH,), dtype=jnp.float32)
    return {"x": x, "edge_index": edge_index, "W1": W1, "b1": b1,
            "W_mu": W_mu, "b_mu": b_mu, "W_ls": W_ls, "b_ls": b_ls}


def reference(x, edge_index, W1, b1, W_mu, b_mu, W_ls, b_ls):
    h = gcn_conv(x, edge_index, W1, b1)
    h = jax.nn.relu(h)
    mu = gcn_conv(h, edge_index, W_mu, b_mu)
    logstd = gcn_conv(h, edge_index, W_ls, b_ls)
    return (mu, logstd)

if __name__ == "__main__":
    import jax
    _d = setup_inputs()
    print(jax.jit(kernel)(*tuple(_d.values())))

</pallas_src>

<mosaic_0001>
#map = affine_map<(d0, d1) -> (0, 0)>
#map1 = affine_map<(d0, d1) -> (0, 0, 0)>
module attributes {stable_mosaic.version = 14 : i64} {
  func.func @_agg_body(%arg0: i32, %arg1: i32, %arg2: memref<10000x128xf32, #tpu.memory_space<hbm>>, %arg3: memref<320x20x50xi32, #tpu.memory_space<hbm>>, %arg4: memref<320x20x50xi32, #tpu.memory_space<hbm>>, %arg5: memref<2x10000x128xf32, #tpu.memory_space<hbm>>, %arg6: memref<20x50xi32, #tpu.memory_space<vmem>>, %arg7: memref<20x50xi32, #tpu.memory_space<vmem>>, %arg8: memref<50x128xf32, #tpu.memory_space<vmem>>, %arg9: memref<50x128xf32, #tpu.memory_space<vmem>>, %arg10: memref<50x128xf32, #tpu.memory_space<vmem>>, %arg11: memref<50x128xf32, #tpu.memory_space<vmem>>, %arg12: memref<16x128xf32, #tpu.memory_space<vmem>>, %arg13: memref<10000x128xf32, #tpu.memory_space<vmem_shared>>, %arg14: memref<!tpu.dma_semaphore, #tpu.memory_space<semaphore_mem>>, %arg15: memref<!tpu.dma_semaphore, #tpu.memory_space<semaphore_mem>>, %arg16: memref<!tpu.dma_semaphore, #tpu.memory_space<semaphore_mem>>, %arg17: memref<!tpu.dma_semaphore, #tpu.memory_space<semaphore_mem>>, %arg18: memref<!tpu.dma_semaphore, #tpu.memory_space<semaphore_mem>>, %arg19: memref<!tpu.dma_semaphore, #tpu.memory_space<semaphore_mem>>) attributes {dimension_semantics = [#tpu.dimension_semantics<core_parallel>, #tpu.dimension_semantics<subcore_parallel>], iteration_bounds = array<i64: 2, 16>, scalar_prefetch = 0 : i64, scratch_operands = 14 : i64, tpu.core_type = #tpu.core_type<sc_vector_subcore>, window_params = [{transform_indices = #map}, {transform_indices = #map1}, {transform_indices = #map1}, {transform_indices = #map1}]} {
    %mul3A = arith.constant 16 : i32
    %mul3A_0 = arith.muli %arg0, %mul3A : i32
    %add3A = arith.addi %mul3A_0, %arg1 : i32
    %broadcast_in_dim3A = arith.constant 0.000000e+00 : f32
    %broadcast_in_dim3A_1 = vector.broadcast %broadcast_in_dim3A : f32 to vector<16xf32>
    %scan3A = arith.constant 0 : i32
    %scan3A_2 = arith.constant 0 : i32
    %scan3A_3 = arith.constant 16 : i32
    %scan3A_4 = arith.addi %scan3A_2, %scan3A_3 : i32
    %scan3A_5 = arith.constant 1 : i32
    scf.for %scan3A_34 = %scan3A_2 to %scan3A_4 step %scan3A_5  : i32 {
      %swap3A = arith.index_cast %scan3A_34 : i32 to index
      %swap3A_35 = arith.constant 0 : index
      %swap3A_36 = tpu.vector_load %arg12[%swap3A, %swap3A_35] {strides = array<i32>} : memref<16x128xf32, #tpu.memory_space<vmem>>, vector<1x16xf32>,
      %swap3A_37 = vector.shape_cast %swap3A_36 : vector<1x16xf32> to vector<16xf32>
      %swap3A_38 = vector.shape_cast %broadcast_in_dim3A_1 : vector<16xf32> to vector<1x16xf32>
      tpu.vector_store %arg12[%swap3A, %swap3A_35], %swap3A_38 {strides = array<i32>} : memref<16x128xf32, #tpu.memory_space<vmem>>, vector<1x16xf32>,
      %swap3A_39 = arith.index_cast %scan3A_34 : i32 to index
      %swap3A_40 = arith.constant 16 : index
      %swap3A_41 = tpu.vector_load %arg12[%swap3A_39, %swap3A_40] {strides = array<i32>} : memref<16x128xf32, #tpu.memory_space<vmem>>, vector<1x16xf32>,
      %swap3A_42 = vector.shape_cast %swap3A_41 : vector<1x16xf32> to vector<16xf32>
      %swap3A_43 = vector.shape_cast %broadcast_in_dim3A_1 : vector<16xf32> to vector<1x16xf32>
      tpu.vector_store %arg12[%swap3A_39, %swap3A_40], %swap3A_43 {strides = array<i32>} : memref<16x128xf32, #tpu.memory_space<vmem>>, vector<1x16xf32>,
      %swap3A_44 = arith.index_cast %scan3A_34 : i32 to index
      %swap3A_45 = arith.constant 32 : index
      %swap3A_46 = tpu.vector_load %arg12[%swap3A_44, %swap3A_45] {strides = array<i32>} : memref<16x128xf32, #tpu.memory_space<vmem>>, vector<1x16xf32>,
      %swap3A_47 = vector.shape_cast %swap3A_46 : vector<1x16xf32> to vector<16xf32>
      %swap3A_48 = vector.shape_cast %broadcast_in_dim3A_1 : vector<16xf32> to vector<1x16xf32>
      tpu.vector_store %arg12[%swap3A_44, %swap3A_45], %swap3A_48 {strides = array<i32>} : memref<16x128xf32, #tpu.memory_space<vmem>>, vector<1x16xf32>,
      %swap3A_49 = arith.index_cast %scan3A_34 : i32 to index
      %swap3A_50 = arith.constant 48 : index
      %swap3A_51 = tpu.vector_load %arg12[%swap3A_49, %swap3A_50] {strides = array<i32>} : memref<16x128xf32, #tpu.memory_space<vmem>>, vector<1x16xf32>,
      %swap3A_52 = vector.shape_cast %swap3A_51 : vector<1x16xf32> to vector<16xf32>
      %swap3A_53 = vector.shape_cast %broadcast_in_dim3A_1 : vector<16xf32> to vector<1x16xf32>
      tpu.vector_store %arg12[%swap3A_49, %swap3A_50], %swap3A_53 {strides = array<i32>} : memref<16x128xf32, #tpu.memory_space<vmem>>, vector<1x16xf32>,
      %swap3A_54 = arith.index_cast %scan3A_34 : i32 to index
      %swap3A_55 = arith.constant 64 : index
      %swap3A_56 = tpu.vector_load %arg12[%swap3A_54, %swap3A_55] {strides = array<i32>} : memref<16x128xf32, #tpu.memory_space<vmem>>, vector<1x16xf32>,
      %swap3A_57 = vector.shape_cast %swap3A_56 : vector<1x16xf32> to vector<16xf32>
      %swap3A_58 = vector.shape_cast %broadcast_in_dim3A_1 : vector<16xf32> to vector<1x16xf32>
      tpu.vector_store %arg12[%swap3A_54, %swap3A_55], %swap3A_58 {strides = array<i32>} : memref<16x128xf32, #tpu.memory_space<vmem>>, vector<1x16xf32>,
      %swap3A_59 = arith.index_cast %scan3A_34 : i32 to index
      %swap3A_60 = arith.constant 80 : index
      %swap3A_61 = tpu.vector_load %arg12[%swap3A_59, %swap3A_60] {strides = array<i32>} : memref<16x128xf32, #tpu.memory_space<vmem>>, vector<1x16xf32>,
      %swap3A_62 = vector.shape_cast %swap3A_61 : vector<1x16xf32> to vector<16xf32>
      %swap3A_63 = vector.shape_cast %broadcast_in_dim3A_1 : vector<16xf32> to vector<1x16xf32>
      tpu.vector_store %arg12[%swap3A_59, %swap3A_60], %swap3A_63 {strides = array<i32>} : memref<16x128xf32, #tpu.memory_space<vmem>>, vector<1x16xf32>,
      %swap3A_64 = arith.index_cast %scan3A_34 : i32 to index
      %swap3A_65 = arith.constant 96 : index
      %swap3A_66 = tpu.vector_load %arg12[%swap3A_64, %swap3A_65] {strides = array<i32>} : memref<16x128xf32, #tpu.memory_space<vmem>>, vector<1x16xf32>,
      %swap3A_67 = vector.shape_cast %swap3A_66 : vector<1x16xf32> to vector<16xf32>
      %swap3A_68 = vector.shape_cast %broadcast_in_dim3A_1 : vector<16xf32> to vector<1x16xf32>
      tpu.vector_store %arg12[%swap3A_64, %swap3A_65], %swap3A_68 {strides = array<i32>} : memref<16x128xf32, #tpu.memory_space<vmem>>, vector<1x16xf32>,
      %swap3A_69 = arith.index_cast %scan3A_34 : i32 to index
      %swap3A_70 = arith.constant 112 : index
      %swap3A_71 = tpu.vector_load %arg12[%swap3A_69, %swap3A_70] {strides = array<i32>} : memref<16x128xf32, #tpu.memory_space<vmem>>, vector<1x16xf32>,
      %swap3A_72 = vector.shape_cast %swap3A_71 : vector<1x16xf32> to vector<16xf32>
      %swap3A_73 = vector.shape_cast %broadcast_in_dim3A_1 : vector<16xf32> to vector<1x16xf32>
      tpu.vector_store %arg12[%swap3A_69, %swap3A_70], %swap3A_73 {strides = array<i32>} : memref<16x128xf32, #tpu.memory_space<vmem>>, vector<1x16xf32>,
    }
    %scan3A_6 = arith.constant 16 : i32
    %eq3A = arith.constant 15 : i32
    %eq3A_7 = arith.cmpi eq, %arg1, %eq3A : i32
    %jit3A = arith.constant 1 : i32
    %jit3A_8 = arith.constant 0 : i32
    %select_n3A = arith.select %eq3A_7, %jit3A, %jit3A_8 : i32
    %add3A_9 = arith.constant 39 : i32
    %add3A_10 = arith.addi %add3A_9, %select_n3A : i32
    %while3A = arith.constant 0 : i32
    %while3A_11 = arith.constant 0 : i32
    %while3A_12 = arith.subi %add3A_10, %while3A_11 : i32
    %while3A_13 = arith.addi %while3A_11, %while3A_12 : i32
    %while3A_14 = arith.constant 1 : i32
    %while3A_15 = arith.divsi %while3A_12, %while3A_14 : i32
    %while3A_16 = arith.muli %while3A_15, %while3A_14 : i32
    %while3A_17 = arith.addi %while3A_11, %while3A_16 : i32
    %while3A_18 = arith.constant 1 : i32
    scf.for %while3A_34 = %while3A_11 to %while3A_17 step %while3A_18  : i32 {
      %mul3A_35 = arith.constant 624 : i32
      %mul3A_36 = arith.muli %arg1, %mul3A_35 : i32
      %mul3A_37 = arith.constant 16 : i32
      %mul3A_38 = arith.muli %while3A_34, %mul3A_37 : i32
      %add3A_39 = arith.addi %mul3A_36, %mul3A_38 : i32
      "tpu.region"() ({
        %run_scoped3A = tpu.sem_alloc : memref<!tpu.dma_semaphore, #tpu.memory_space<semaphore_mem>>
        %dma_start3A = arith.constant 0 : i32
        %dma_start3A_40 = tpu.memref_slice %arg13[%add3A_39, %dma_start3A] : memref<10000x128xf32, #tpu.memory_space<vmem_shared>> -> memref<16x128xf32, #tpu.memory_space<vmem_shared>>
        %dma_start3A_41 = arith.constant 0 : i32
        %dma_start3A_42 = tpu.memref_slice %arg13[%add3A_39, %dma_start3A_41] : memref<10000x128xf32, #tpu.memory_space<vmem_shared>> -> memref<16x128xf32, #tpu.memory_space<vmem_shared>>
        tpu.enqueue_dma source(%arg12 : memref<16x128xf32, #tpu.memory_space<vmem>>) target(%dma_start3A_42 : memref<16x128xf32, #tpu.memory_space<vmem_shared>>) target_semaphore(%run_scoped3A : memref<!tpu.dma_semaphore, #tpu.memory_space<semaphore_mem>>)
        %dma_wait3A = arith.constant 0 : i32
        %dma_wait3A_43 = tpu.memref_slice %arg13[%add3A_39, %dma_wait3A] : memref<10000x128xf32, #tpu.memory_space<vmem_shared>> -> memref<16x128xf32, #tpu.memory_space<vmem_shared>>
        %dma_wait3A_44 = arith.constant 0 : i32
        %dma_wait3A_45 = tpu.memref_slice %arg13[%add3A_39, %dma_wait3A_44] : memref<10000x128xf32, #tpu.memory_space<vmem_shared>> -> memref<16x128xf32, #tpu.memory_space<vmem_shared>>
        tpu.wait_dma2 semaphore(%run_scoped3A : memref<!tpu.dma_semaphore, #tpu.memory_space<semaphore_mem>>) src(%arg12 : memref<16x128xf32, #tpu.memory_space<vmem>>) dst(%dma_wait3A_45 : memref<16x128xf32, #tpu.memory_space<vmem_shared>>)
        tpu.yield
      }) : () -> ()
    }
    %while3A_19 = arith.constant 1 : i32
    scf.for %while3A_34 = %while3A_17 to %while3A_13 step %while3A_19  : i32 {
      %mul3A_35 = arith.constant 624 : i32
      %mul3A_36 = arith.muli %arg1, %mul3A_35 : i32
      %mul3A_37 = arith.constant 16 : i32
      %mul3A_38 = arith.muli %while3A_34, %mul3A_37 : i32
      %add3A_39 = arith.addi %mul3A_36, %mul3A_38 : i32
      "tpu.region"() ({
        %run_scoped3A = tpu.sem_alloc : memref<!tpu.dma_semaphore, #tpu.memory_space<semaphore_mem>>
        %dma_start3A = arith.constant 0 : i32
        %dma_start3A_40 = tpu.memref_slice %arg13[%add3A_39, %dma_start3A] : memref<10000x128xf32, #tpu.memory_space<vmem_shared>> -> memref<16x128xf32, #tpu.memory_space<vmem_shared>>
        %dma_start3A_41 = arith.constant 0 : i32
        %dma_start3A_42 = tpu.memref_slice %arg13[%add3A_39, %dma_start3A_41] : memref<10000x128xf32, #tpu.memory_space<vmem_shared>> -> memref<16x128xf32, #tpu.memory_space<vmem_shared>>
        tpu.enqueue_dma source(%arg12 : memref<16x128xf32, #tpu.memory_space<vmem>>) target(%dma_start3A_42 : memref<16x128xf32, #tpu.memory_space<vmem_shared>>) target_semaphore(%run_scoped3A : memref<!tpu.dma_semaphore, #tpu.memory_space<semaphore_mem>>)
        %dma_wait3A = arith.constant 0 : i32
        %dma_wait3A_43 = tpu.memref_slice %arg13[%add3A_39, %dma_wait3A] : memref<10000x128xf32, #tpu.memory_space<vmem_shared>> -> memref<16x128xf32, #tpu.memory_space<vmem_shared>>
        %dma_wait3A_44 = arith.constant 0 : i32
        %dma_wait3A_45 = tpu.memref_slice %arg13[%add3A_39, %dma_wait3A_44] : memref<10000x128xf32, #tpu.memory_space<vmem_shared>> -> memref<16x128xf32, #tpu.memory_space<vmem_shared>>
        tpu.wait_dma2 semaphore(%run_scoped3A : memref<!tpu.dma_semaphore, #tpu.memory_space<semaphore_mem>>) src(%arg12 : memref<16x128xf32, #tpu.memory_space<vmem>>) dst(%dma_wait3A_45 : memref<16x128xf32, #tpu.memory_space<vmem_shared>>)
        tpu.yield
      }) : () -> ()
    }
    %barrier3A = arith.constant 0 : index
    tpu.barrier barrier_id(%barrier3A)
    %scan3A_20 = arith.constant 0 : i32
    %scan3A_21 = arith.constant 0 : i32
    %scan3A_22 = arith.constant 10 : i32
    %scan3A_23 = arith.addi %scan3A_21, %scan3A_22 : i32
    %scan3A_24 = arith.constant 1 : i32
    scf.for %scan3A_34 = %scan3A_21 to %scan3A_23 step %scan3A_24  : i32 {
      %mul3A_35 = arith.constant 10 : i32
      %mul3A_36 = arith.muli %add3A, %mul3A_35 : i32
      %add3A_37 = arith.addi %mul3A_36, %scan3A_34 : i32
      "tpu.region"() ({
        %run_scoped3A = tpu.sem_alloc : memref<!tpu.dma_semaphore, #tpu.memory_space<semaphore_mem>>
        %dma_start3A = arith.constant 0 : i32
        %dma_start3A_46 = arith.constant 0 : i32
        %dma_start3A_47 = tpu.memref_slice %arg3[%add3A_37, %dma_start3A, %dma_start3A_46] : memref<320x20x50xi32, #tpu.memory_space<hbm>> -> memref<1x20x50xi32, #tpu.memory_space<hbm>>
        %dma_start3A_48 = tpu.memref_squeeze %dma_start3A_47 : memref<1x20x50xi32, #tpu.memory_space<hbm>> -> memref<20x50xi32, #tpu.memory_space<hbm>>
        %dma_start3A_49 = arith.constant 0 : i32
        %dma_start3A_50 = arith.constant 0 : i32
        %dma_start3A_51 = tpu.memref_slice %arg3[%add3A_37, %dma_start3A_49, %dma_start3A_50] : memref<320x20x50xi32, #tpu.memory_space<hbm>> -> memref<1x20x50xi32, #tpu.memory_space<hbm>>
        %dma_start3A_52 = tpu.memref_squeeze %dma_start3A_51 : memref<1x20x50xi32, #tpu.memory_space<hbm>> -> memref<20x50xi32, #tpu.memory_space<hbm>>
        tpu.enqueue_dma source(%dma_start3A_52 : memref<20x50xi32, #tpu.memory_space<hbm>>) target(%arg6 : memref<20x50xi32, #tpu.memory_space<vmem>>) target_semaphore(%run_scoped3A : memref<!tpu.dma_semaphore, #tpu.memory_space<semaphore_mem>>)
        %dma_wait3A = arith.constant 0 : i32
        %dma_wait3A_53 = arith.constant 0 : i32
        %dma_wait3A_54 = tpu.memref_slice %arg3[%add3A_37, %dma_wait3A, %dma_wait3A_53] : memref<320x20x50xi32, #tpu.memory_space<hbm>> -> memref<1x20x50xi32, #tpu.memory_space<hbm>>
        %dma_wait3A_55 = tpu.memref_squeeze %dma_wait3A_54 : memref<1x20x50xi32, #tpu.memory_space<hbm>> -> memref<20x50xi32, #tpu.memory_space<hbm>>
        %dma_wait3A_56 = arith.constant 0 : i32
        %dma_wait3A_57 = arith.constant 0 : i32
        %dma_wait3A_58 = tpu.memref_slice %arg3[%add3A_37, %dma_wait3A_56, %dma_wait3A_57] : memref<320x20x50xi32, #tpu.memory_space<hbm>> -> memref<1x20x50xi32, #tpu.memory_space<hbm>>
        %dma_wait3A_59 = tpu.memref_squeeze %dma_wait3A_58 : memref<1x20x50xi32, #tpu.memory_space<hbm>> -> memref<20x50xi32, #tpu.memory_space<hbm>>
        tpu.wait_dma2 semaphore(%run_scoped3A : memref<!tpu.dma_semaphore, #tpu.memory_space<semaphore_mem>>) src(%dma_wait3A_59 : memref<20x50xi32, #tpu.memory_space<hbm>>) dst(%arg6 : memref<20x50xi32, #tpu.memory_space<vmem>>)
        tpu.yield
      }) : () -> ()
      %mul3A_38 = arith.constant 10 : i32
      %mul3A_39 = arith.muli %add3A, %mul3A_38 : i32
      %add3A_40 = arith.addi %mul3A_39, %scan3A_34 : i32
      "tpu.region"() ({
        %run_scoped3A = tpu.sem_alloc : memref<!tpu.dma_semaphore, #tpu.memory_space<semaphore_mem>>
        %dma_start3A = arith.constant 0 : i32
        %dma_start3A_46 = arith.constant 0 : i32
        %dma_start3A_47 = tpu.memref_slice %arg4[%add3A_40, %dma_start3A, %dma_start3A_46] : memref<320x20x50xi32, #tpu.memory_space<hbm>> -> memref<1x20x50xi32, #tpu.memory_space<hbm>>
        %dma_start3A_48 = tpu.memref_squeeze %dma_start3A_47 : memref<1x20x50xi32, #tpu.memory_space<hbm>> -> memref<20x50xi32, #tpu.memory_space<hbm>>
        %dma_start3A_49 = arith.constant 0 : i32
        %dma_start3A_50 = arith.constant 0 : i32
        %dma_start3A_51 = tpu.memref_slice %arg4[%add3A_40, %dma_start3A_49, %dma_start3A_50] : memref<320x20x50xi32, #tpu.memory_space<hbm>> -> memref<1x20x50xi32, #tpu.memory_space<hbm>>
        %dma_start3A_52 = tpu.memref_squeeze %dma_start3A_51 : memref<1x20x50xi32, #tpu.memory_space<hbm>> -> memref<20x50xi32, #tpu.memory_space<hbm>>
        tpu.enqueue_dma source(%dma_start3A_52 : memref<20x50xi32, #tpu.memory_space<hbm>>) target(%arg7 : memref<20x50xi32, #tpu.memory_space<vmem>>) target_semaphore(%run_scoped3A : memref<!tpu.dma_semaphore, #tpu.memory_space<semaphore_mem>>)
        %dma_wait3A = arith.constant 0 : i32
        %dma_wait3A_53 = arith.constant 0 : i32
        %dma_wait3A_54 = tpu.memref_slice %arg4[%add3A_40, %dma_wait3A, %dma_wait3A_53] : memref<320x20x50xi32, #tpu.memory_space<hbm>> -> memref<1x20x50xi32, #tpu.memory_space<hbm>>
        %dma_wait3A_55 = tpu.memref_squeeze %dma_wait3A_54 : memref<1x20x50xi32, #tpu.memory_space<hbm>> -> memref<20x50xi32, #tpu.memory_space<hbm>>
        %dma_wait3A_56 = arith.constant 0 : i32
        %dma_wait3A_57 = arith.constant 0 : i32
        %dma_wait3A_58 = tpu.memref_slice %arg4[%add3A_40, %dma_wait3A_56, %dma_wait3A_57] : memref<320x20x50xi32, #tpu.memory_space<hbm>> -> memref<1x20x50xi32, #tpu.memory_space<hbm>>
        %dma_wait3A_59 = tpu.memref_squeeze %dma_wait3A_58 : memref<1x20x50xi32, #tpu.memory_space<hbm>> -> memref<20x50xi32, #tpu.memory_space<hbm>>
        tpu.wait_dma2 semaphore(%run_scoped3A : memref<!tpu.dma_semaphore, #tpu.memory_space<semaphore_mem>>) src(%dma_wait3A_59 : memref<20x50xi32, #tpu.memory_space<hbm>>) dst(%arg7 : memref<20x50xi32, #tpu.memory_space<vmem>>)
        tpu.yield
      }) : () -> ()
      %scan3A_41 = arith.constant 0 : i32
      %scan3A_42 = arith.constant 20 : i32
      %scan3A_43 = arith.addi %scan3A_41, %scan3A_42 : i32
      %scan3A_44 = arith.constant 1 : i32
      scf.for %scan3A_46 = %scan3A_41 to %scan3A_43 step %scan3A_44  : i32 {
        %dma_start3A = arith.constant 0 : i32
        %dma_start3A_47 = tpu.memref_slice %arg6[%scan3A_46, %dma_start3A] : memref<20x50xi32, #tpu.memory_space<vmem>> -> memref<1x50xi32, #tpu.memory_space<vmem>>
        %dma_start3A_48 = tpu.memref_squeeze %dma_start3A_47 : memref<1x50xi32, #tpu.memory_space<vmem>> -> memref<50xi32, #tpu.memory_space<vmem>>
        %dma_start3A_49 = arith.constant 0 : i32
        %dma_start3A_50 = arith.constant 0 : i32
        %dma_start3A_51 = tpu.memref_slice %arg2[%dma_start3A_49, %dma_start3A_50] : memref<10000x128xf32, #tpu.memory_space<hbm>> -> memref<10000x128xf32, #tpu.memory_space<hbm>>
        tpu.enqueue_indirect_dma source(%dma_start3A_51 : memref<10000x128xf32, #tpu.memory_space<hbm>>) target(%arg8 : memref<50x128xf32, #tpu.memory_space<vmem>>) offsets(%dma_start3A_48 : memref<50xi32, #tpu.memory_space<vmem>>) semaphore(%arg15 : memref<!tpu.dma_semaphore, #tpu.memory_space<semaphore_mem>>)
        %dma_wait3A = arith.constant 0 : i32
        %dma_wait3A_52 = arith.constant 0 : i32
        %dma_wait3A_53 = tpu.memref_slice %arg6[%dma_wait3A, %dma_wait3A_52] : memref<20x50xi32, #tpu.memory_space<vmem>> -> memref<1x50xi32, #tpu.memory_space<vmem>>
        %dma_wait3A_54 = tpu.memref_squeeze %dma_wait3A_53 : memref<1x50xi32, #tpu.memory_space<vmem>> -> memref<50xi32, #tpu.memory_space<vmem>>
        %dma_wait3A_55 = arith.constant 0 : i32
        %dma_wait3A_56 = arith.constant 0 : i32
        %dma_wait3A_57 = tpu.memref_slice %arg2[%dma_wait3A_55, %dma_wait3A_56] : memref<10000x128xf32, #tpu.memory_space<hbm>> -> memref<10000x128xf32, #tpu.memory_space<hbm>>
        tpu.wait_indirect_dma semaphore(%arg15 : memref<!tpu.dma_semaphore, #tpu.memory_space<semaphore_mem>>) src(%dma_wait3A_57 : memref<10000x128xf32, #tpu.memory_space<hbm>>) dst(%arg8 : memref<50x128xf32, #tpu.memory_space<vmem>>)
        %dma_start3A_58 = arith.constant 0 : i32
        %dma_start3A_59 = tpu.memref_slice %arg7[%scan3A_46, %dma_start3A_58] : memref<20x50xi32, #tpu.memory_space<vmem>> -> memref<1x50xi32, #tpu.memory_space<vmem>>
        %dma_start3A_60 = tpu.memref_squeeze %dma_start3A_59 : memref<1x50xi32, #tpu.memory_space<vmem>> -> memref<50xi32, #tpu.memory_space<vmem>>
        %dma_start3A_61 = arith.constant 0 : i32
        %dma_start3A_62 = arith.constant 0 : i32
        %dma_start3A_63 = tpu.memref_slice %arg13[%dma_start3A_61, %dma_start3A_62] : memref<10000x128xf32, #tpu.memory_space<vmem_shared>> -> memref<10000x128xf32, #tpu.memory_space<vmem_shared>>
        tpu.enqueue_indirect_dma source(%arg8 : memref<50x128xf32, #tpu.memory_space<vmem>>) target(%dma_start3A_63 : memref<10000x128xf32, #tpu.memory_space<vmem_shared>>) offsets(%dma_start3A_60 : memref<50xi32, #tpu.memory_space<vmem>>) semaphore(%arg19 : memref<!tpu.dma_semaphore, #tpu.memory_space<semaphore_mem>>) {add = true}
        %dma_wait3A_64 = arith.constant 0 : i32
        %dma_wait3A_65 = tpu.memref_slice %arg7[%scan3A_46, %dma_wait3A_64] : memref<20x50xi32, #tpu.memory_space<vmem>> -> memref<1x50xi32, #tpu.memory_space<vmem>>
        %dma_wait3A_66 = tpu.memref_squeeze %dma_wait3A_65 : memref<1x50xi32, #tpu.memory_space<vmem>> -> memref<50xi32, #tpu.memory_space<vmem>>
        %dma_wait3A_67 = arith.constant 0 : i32
        %dma_wait3A_68 = arith.constant 0 : i32
        %dma_wait3A_69 = tpu.memref_slice %arg13[%dma_wait3A_67, %dma_wait3A_68] : memref<10000x128xf32, #tpu.memory_space<vmem_shared>> -> memref<10000x128xf32, #tpu.memory_space<vmem_shared>>
        tpu.wait_indirect_dma semaphore(%arg19 : memref<!tpu.dma_semaphore, #tpu.memory_space<semaphore_mem>>) src(%arg8 : memref<50x128xf32, #tpu.memory_space<vmem>>) dst(%dma_wait3A_69 : memref<10000x128xf32, #tpu.memory_space<vmem_shared>>)
      }
      %scan3A_45 = arith.constant 20 : i32
    }
    %scan3A_25 = arith.constant 10 : i32
    %barrier3A_26 = arith.constant 0 : index
    tpu.barrier barrier_id(%barrier3A_26)
    %mul3A_27 = arith.constant 624 : i32
    %mul3A_28 = arith.muli %arg1, %mul3A_27 : i32
    %mul3A_29 = arith.constant 624 : i32
    %mul3A_30 = arith.muli %arg1, %mul3A_29 : i32
    "tpu.region"() ({
      %run_scoped3A = tpu.sem_alloc : memref<!tpu.dma_semaphore, #tpu.memory_space<semaphore_mem>>
      %dma_start3A = arith.constant 0 : i32
      %dma_start3A_34 = tpu.memref_slice %arg5[%arg0, %mul3A_30, %dma_start3A] : memref<2x10000x128xf32, #tpu.memory_space<hbm>> -> memref<1x624x128xf32, #tpu.memory_space<hbm>>
      %dma_start3A_35 = tpu.memref_squeeze %dma_start3A_34 : memref<1x624x128xf32, #tpu.memory_space<hbm>> -> memref<624x128xf32, #tpu.memory_space<hbm>>
      %dma_start3A_36 = arith.constant 0 : i32
      %dma_start3A_37 = tpu.memref_slice %arg13[%mul3A_28, %dma_start3A_36] : memref<10000x128xf32, #tpu.memory_space<vmem_shared>> -> memref<624x128xf32, #tpu.memory_space<vmem_shared>>
      tpu.enqueue_dma source(%dma_start3A_37 : memref<624x128xf32, #tpu.memory_space<vmem_shared>>) target(%dma_start3A_35 : memref<624x128xf32, #tpu.memory_space<hbm>>) target_semaphore(%run_scoped3A : memref<!tpu.dma_semaphore, #tpu.memory_space<semaphore_mem>>)
      %dma_wait3A = arith.constant 0 : i32
      %dma_wait3A_38 = tpu.memref_slice %arg5[%arg0, %mul3A_30, %dma_wait3A] : memref<2x10000x128xf32, #tpu.memory_space<hbm>> -> memref<1x624x128xf32, #tpu.memory_space<hbm>>
      %dma_wait3A_39 = tpu.memref_squeeze %dma_wait3A_38 : memref<1x624x128xf32, #tpu.memory_space<hbm>> -> memref<624x128xf32, #tpu.memory_space<hbm>>
      %dma_wait3A_40 = arith.constant 0 : i32
      %dma_wait3A_41 = tpu.memref_slice %arg13[%mul3A_28, %dma_wait3A_40] : memref<10000x128xf32, #tpu.memory_space<vmem_shared>> -> memref<624x128xf32, #tpu.memory_space<vmem_shared>>
      tpu.wait_dma2 semaphore(%run_scoped3A : memref<!tpu.dma_semaphore, #tpu.memory_space<semaphore_mem>>) src(%dma_wait3A_41 : memref<624x128xf32, #tpu.memory_space<vmem_shared>>) dst(%dma_wait3A_39 : memref<624x128xf32, #tpu.memory_space<hbm>>)
      tpu.yield
    }) : () -> ()
    %eq3A_31 = arith.constant 15 : i32
    %eq3A_32 = arith.cmpi eq, %arg1, %eq3A_31 : i32
    %convert_element_type3A = arith.extui %eq3A_32 : i1 to i32
    %cond3A = arith.constant 0 : i32
    %cond3A_33 = arith.cmpi ne, %convert_element_type3A, %cond3A : i32
    scf.if %cond3A_33 {
      "tpu.region"() ({
        %run_scoped3A = tpu.sem_alloc : memref<!tpu.dma_semaphore, #tpu.memory_space<semaphore_mem>>
        %dma_start3A = arith.constant 9984 : i32
        %dma_start3A_34 = arith.constant 0 : i32
        %dma_start3A_35 = tpu.memref_slice %arg5[%arg0, %dma_start3A, %dma_start3A_34] : memref<2x10000x128xf32, #tpu.memory_space<hbm>> -> memref<1x16x128xf32, #tpu.memory_space<hbm>>
        %dma_start3A_36 = tpu.memref_squeeze %dma_start3A_35 : memref<1x16x128xf32, #tpu.memory_space<hbm>> -> memref<16x128xf32, #tpu.memory_space<hbm>>
        %dma_start3A_37 = arith.constant 9984 : i32
        %dma_start3A_38 = arith.constant 0 : i32
        %dma_start3A_39 = tpu.memref_slice %arg13[%dma_start3A_37, %dma_start3A_38] : memref<10000x128xf32, #tpu.memory_space<vmem_shared>> -> memref<16x128xf32, #tpu.memory_space<vmem_shared>>
        tpu.enqueue_dma source(%dma_start3A_39 : memref<16x128xf32, #tpu.memory_space<vmem_shared>>) target(%dma_start3A_36 : memref<16x128xf32, #tpu.memory_space<hbm>>) target_semaphore(%run_scoped3A : memref<!tpu.dma_semaphore, #tpu.memory_space<semaphore_mem>>)
        %dma_wait3A = arith.constant 9984 : i32
        %dma_wait3A_40 = arith.constant 0 : i32
        %dma_wait3A_41 = tpu.memref_slice %arg5[%arg0, %dma_wait3A, %dma_wait3A_40] : memref<2x10000x128xf32, #tpu.memory_space<hbm>> -> memref<1x16x128xf32, #tpu.memory_space<hbm>>
        %dma_wait3A_42 = tpu.memref_squeeze %dma_wait3A_41 : memref<1x16x128xf32, #tpu.memory_space<hbm>> -> memref<16x128xf32, #tpu.memory_space<hbm>>
        %dma_wait3A_43 = arith.constant 9984 : i32
        %dma_wait3A_44 = arith.constant 0 : i32
        %dma_wait3A_45 = tpu.memref_slice %arg13[%dma_wait3A_43, %dma_wait3A_44] : memref<10000x128xf32, #tpu.memory_space<vmem_shared>> -> memref<16x128xf32, #tpu.memory_space<vmem_shared>>
        tpu.wait_dma2 semaphore(%run_scoped3A : memref<!tpu.dma_semaphore, #tpu.memory_space<semaphore_mem>>) src(%dma_wait3A_45 : memref<16x128xf32, #tpu.memory_space<vmem_shared>>) dst(%dma_wait3A_42 : memref<16x128xf32, #tpu.memory_space<hbm>>)
        tpu.yield
      }) : () -> ()
    } else {
    }
    return
  }
}

#map = affine_map<(d0, d1) -> (0, 0, 0)>
module attributes {stable_mosaic.version = 14 : i64} {
  func.func @_deg_body(%arg0: i32, %arg1: i32, %arg2: memref<320x20x50xi32, #tpu.memory_space<hbm>>, %arg3: memref<2x10000x16xf32, #tpu.memory_space<hbm>>, %arg4: memref<20x50xi32, #tpu.memory_space<vmem>>, %arg5: memref<50x16xf32, #tpu.memory_space<vmem>>, %arg6: memref<16x16xf32, #tpu.memory_space<vmem>>, %arg7: memref<10000x16xf32, #tpu.memory_space<vmem_shared>>, %arg8: memref<!tpu.dma_semaphore, #tpu.memory_space<semaphore_mem>>) attributes {dimension_semantics = [#tpu.dimension_semantics<core_parallel>, #tpu.dimension_semantics<subcore_parallel>], iteration_bounds = array<i64: 2, 16>, scalar_prefetch = 0 : i64, scratch_operands = 5 : i64, tpu.core_type = #tpu.core_type<sc_vector_subcore>, window_params = [{transform_indices = #map}, {transform_indices = #map}]} {
    %mul3A = arith.constant 16 : i32
    %mul3A_0 = arith.muli %arg0, %mul3A : i32
    %add3A = arith.addi %mul3A_0, %arg1 : i32
    %broadcast_in_dim3A = arith.constant 1.000000e+00 : f32
    %broadcast_in_dim3A_1 = vector.broadcast %broadcast_in_dim3A : f32 to vector<16xf32>
    %broadcast_in_dim3A_2 = arith.constant 0.000000e+00 : f32
    %broadcast_in_dim3A_3 = vector.broadcast %broadcast_in_dim3A_2 : f32 to vector<16xf32>
    %scan3A = arith.constant 0 : i32
    %scan3A_4 = arith.constant 0 : i32
    %scan3A_5 = arith.constant 50 : i32
    %scan3A_6 = arith.addi %scan3A_4, %scan3A_5 : i32
    %scan3A_7 = arith.constant 1 : i32
    scf.for %scan3A_42 = %scan3A_4 to %scan3A_6 step %scan3A_7  : i32 {
      %swap3A = arith.index_cast %scan3A_42 : i32 to index
      %swap3A_43 = arith.constant 0 : index
      %swap3A_44 = tpu.vector_load %arg5[%swap3A, %swap3A_43] {strides = array<i32>} : memref<50x16xf32, #tpu.memory_space<vmem>>, vector<1x16xf32>,
      %swap3A_45 = vector.shape_cast %swap3A_44 : vector<1x16xf32> to vector<16xf32>
      %swap3A_46 = vector.shape_cast %broadcast_in_dim3A_1 : vector<16xf32> to vector<1x16xf32>
      tpu.vector_store %arg5[%swap3A, %swap3A_43], %swap3A_46 {strides = array<i32>} : memref<50x16xf32, #tpu.memory_space<vmem>>, vector<1x16xf32>,
    }
    %scan3A_8 = arith.constant 50 : i32
    %scan3A_9 = arith.constant 0 : i32
    %scan3A_10 = arith.constant 0 : i32
    %scan3A_11 = arith.constant 16 : i32
    %scan3A_12 = arith.addi %scan3A_10, %scan3A_11 : i32
    %scan3A_13 = arith.constant 1 : i32
    scf.for %scan3A_42 = %scan3A_10 to %scan3A_12 step %scan3A_13  : i32 {
      %swap3A = arith.index_cast %scan3A_42 : i32 to index
      %swap3A_43 = arith.constant 0 : index
      %swap3A_44 = tpu.vector_load %arg6[%swap3A, %swap3A_43] {strides = array<i32>} : memref<16x16xf32, #tpu.memory_space<vmem>>, vector<1x16xf32>,
      %swap3A_45 = vector.shape_cast %swap3A_44 : vector<1x16xf32> to vector<16xf32>
      %swap3A_46 = vector.shape_cast %broadcast_in_dim3A_3 : vector<16xf32> to vector<1x16xf32>
      tpu.vector_store %arg6[%swap3A, %swap3A_43], %swap3A_46 {strides = array<i32>} : memref<16x16xf32, #tpu.memory_space<vmem>>, vector<1x16xf32>,
    }
    %scan3A_14 = arith.constant 16 : i32
    %eq3A = arith.constant 15 : i32
    %eq3A_15 = arith.cmpi eq, %arg1, %eq3A : i32
    %jit3A = arith.constant 1 : i32
    %jit3A_16 = arith.constant 0 : i32
    %select_n3A = arith.select %eq3A_15, %jit3A, %jit3A_16 : i32
    %add3A_17 = arith.constant 39 : i32
    %add3A_18 = arith.addi %add3A_17, %select_n3A : i32
    %while3A = arith.constant 0 : i32
    %while3A_19 = arith.constant 0 : i32
    %while3A_20 = arith.subi %add3A_18, %while3A_19 : i32
    %while3A_21 = arith.addi %while3A_19, %while3A_20 : i32
    %while3A_22 = arith.constant 1 : i32
    %while3A_23 = arith.divsi %while3A_20, %while3A_22 : i32
    %while3A_24 = arith.muli %while3A_23, %while3A_22 : i32
    %while3A_25 = arith.addi %while3A_19, %while3A_24 : i32
    %while3A_26 = arith.constant 1 : i32
    scf.for %while3A_42 = %while3A_19 to %while3A_25 step %while3A_26  : i32 {
      %mul3A_43 = arith.constant 624 : i32
      %mul3A_44 = arith.muli %arg1, %mul3A_43 : i32
      %mul3A_45 = arith.constant 16 : i32
      %mul3A_46 = arith.muli %while3A_42, %mul3A_45 : i32
      %add3A_47 = arith.addi %mul3A_44, %mul3A_46 : i32
      "tpu.region"() ({
        %run_scoped3A = tpu.sem_alloc : memref<!tpu.dma_semaphore, #tpu.memory_space<semaphore_mem>>
        %dma_start3A = arith.constant 0 : i32
        %dma_start3A_48 = tpu.memref_slice %arg7[%add3A_47, %dma_start3A] : memref<10000x16xf32, #tpu.memory_space<vmem_shared>> -> memref<16x16xf32, #tpu.memory_space<vmem_shared>>
        %dma_start3A_49 = arith.constant 0 : i32
        %dma_start3A_50 = tpu.memref_slice %arg7[%add3A_47, %dma_start3A_49] : memref<10000x16xf32, #tpu.memory_space<vmem_shared>> -> memref<16x16xf32, #tpu.memory_space<vmem_shared>>
        tpu.enqueue_dma source(%arg6 : memref<16x16xf32, #tpu.memory_space<vmem>>) target(%dma_start3A_50 : memref<16x16xf32, #tpu.memory_space<vmem_shared>>) target_semaphore(%run_scoped3A : memref<!tpu.dma_semaphore, #tpu.memory_space<semaphore_mem>>)
        %dma_wait3A = arith.constant 0 : i32
        %dma_wait3A_51 = tpu.memref_slice %arg7[%add3A_47, %dma_wait3A] : memref<10000x16xf32, #tpu.memory_space<vmem_shared>> -> memref<16x16xf32, #tpu.memory_space<vmem_shared>>
        %dma_wait3A_52 = arith.constant 0 : i32
        %dma_wait3A_53 = tpu.memref_slice %arg7[%add3A_47, %dma_wait3A_52] : memref<10000x16xf32, #tpu.memory_space<vmem_shared>> -> memref<16x16xf32, #tpu.memory_space<vmem_shared>>
        tpu.wait_dma2 semaphore(%run_scoped3A : memref<!tpu.dma_semaphore, #tpu.memory_space<semaphore_mem>>) src(%arg6 : memref<16x16xf32, #tpu.memory_space<vmem>>) dst(%dma_wait3A_53 : memref<16x16xf32, #tpu.memory_space<vmem_shared>>)
        tpu.yield
      }) : () -> ()
    }
    %while3A_27 = arith.constant 1 : i32
    scf.for %while3A_42 = %while3A_25 to %while3A_21 step %while3A_27  : i32 {
      %mul3A_43 = arith.constant 624 : i32
      %mul3A_44 = arith.muli %arg1, %mul3A_43 : i32
      %mul3A_45 = arith.constant 16 : i32
      %mul3A_46 = arith.muli %while3A_42, %mul3A_45 : i32
      %add3A_47 = arith.addi %mul3A_44, %mul3A_46 : i32
      "tpu.region"() ({
        %run_scoped3A = tpu.sem_alloc : memref<!tpu.dma_semaphore, #tpu.memory_space<semaphore_mem>>
        %dma_start3A = arith.constant 0 : i32
        %dma_start3A_48 = tpu.memref_slice %arg7[%add3A_47, %dma_start3A] : memref<10000x16xf32, #tpu.memory_space<vmem_shared>> -> memref<16x16xf32, #tpu.memory_space<vmem_shared>>
        %dma_start3A_49 = arith.constant 0 : i32
        %dma_start3A_50 = tpu.memref_slice %arg7[%add3A_47, %dma_start3A_49] : memref<10000x16xf32, #tpu.memory_space<vmem_shared>> -> memref<16x16xf32, #tpu.memory_space<vmem_shared>>
        tpu.enqueue_dma source(%arg6 : memref<16x16xf32, #tpu.memory_space<vmem>>) target(%dma_start3A_50 : memref<16x16xf32, #tpu.memory_space<vmem_shared>>) target_semaphore(%run_scoped3A : memref<!tpu.dma_semaphore, #tpu.memory_space<semaphore_mem>>)
        %dma_wait3A = arith.constant 0 : i32
        %dma_wait3A_51 = tpu.memref_slice %arg7[%add3A_47, %dma_wait3A] : memref<10000x16xf32, #tpu.memory_space<vmem_shared>> -> memref<16x16xf32, #tpu.memory_space<vmem_shared>>
        %dma_wait3A_52 = arith.constant 0 : i32
        %dma_wait3A_53 = tpu.memref_slice %arg7[%add3A_47, %dma_wait3A_52] : memref<10000x16xf32, #tpu.memory_space<vmem_shared>> -> memref<16x16xf32, #tpu.memory_space<vmem_shared>>
        tpu.wait_dma2 semaphore(%run_scoped3A : memref<!tpu.dma_semaphore, #tpu.memory_space<semaphore_mem>>) src(%arg6 : memref<16x16xf32, #tpu.memory_space<vmem>>) dst(%dma_wait3A_53 : memref<16x16xf32, #tpu.memory_space<vmem_shared>>)
        tpu.yield
      }) : () -> ()
    }
    %barrier3A = arith.constant 0 : index
    tpu.barrier barrier_id(%barrier3A)
    %scan3A_28 = arith.constant 0 : i32
    %scan3A_29 = arith.constant 0 : i32
    %scan3A_30 = arith.constant 10 : i32
    %scan3A_31 = arith.addi %scan3A_29, %scan3A_30 : i32
    %scan3A_32 = arith.constant 1 : i32
    scf.for %scan3A_42 = %scan3A_29 to %scan3A_31 step %scan3A_32  : i32 {
      %mul3A_43 = arith.constant 10 : i32
      %mul3A_44 = arith.muli %add3A, %mul3A_43 : i32
      %add3A_45 = arith.addi %mul3A_44, %scan3A_42 : i32
      "tpu.region"() ({
        %run_scoped3A = tpu.sem_alloc : memref<!tpu.dma_semaphore, #tpu.memory_space<semaphore_mem>>
        %dma_start3A = arith.constant 0 : i32
        %dma_start3A_51 = arith.constant 0 : i32
        %dma_start3A_52 = tpu.memref_slice %arg2[%add3A_45, %dma_start3A, %dma_start3A_51] : memref<320x20x50xi32, #tpu.memory_space<hbm>> -> memref<1x20x50xi32, #tpu.memory_space<hbm>>
        %dma_start3A_53 = tpu.memref_squeeze %dma_start3A_52 : memref<1x20x50xi32, #tpu.memory_space<hbm>> -> memref<20x50xi32, #tpu.memory_space<hbm>>
        %dma_start3A_54 = arith.constant 0 : i32
        %dma_start3A_55 = arith.constant 0 : i32
        %dma_start3A_56 = tpu.memref_slice %arg2[%add3A_45, %dma_start3A_54, %dma_start3A_55] : memref<320x20x50xi32, #tpu.memory_space<hbm>> -> memref<1x20x50xi32, #tpu.memory_space<hbm>>
        %dma_start3A_57 = tpu.memref_squeeze %dma_start3A_56 : memref<1x20x50xi32, #tpu.memory_space<hbm>> -> memref<20x50xi32, #tpu.memory_space<hbm>>
        tpu.enqueue_dma source(%dma_start3A_57 : memref<20x50xi32, #tpu.memory_space<hbm>>) target(%arg4 : memref<20x50xi32, #tpu.memory_space<vmem>>) target_semaphore(%run_scoped3A : memref<!tpu.dma_semaphore, #tpu.memory_space<semaphore_mem>>)
        %dma_wait3A = arith.constant 0 : i32
        %dma_wait3A_58 = arith.constant 0 : i32
        %dma_wait3A_59 = tpu.memref_slice %arg2[%add3A_45, %dma_wait3A, %dma_wait3A_58] : memref<320x20x50xi32, #tpu.memory_space<hbm>> -> memref<1x20x50xi32, #tpu.memory_space<hbm>>
        %dma_wait3A_60 = tpu.memref_squeeze %dma_wait3A_59 : memref<1x20x50xi32, #tpu.memory_space<hbm>> -> memref<20x50xi32, #tpu.memory_space<hbm>>
        %dma_wait3A_61 = arith.constant 0 : i32
        %dma_wait3A_62 = arith.constant 0 : i32
        %dma_wait3A_63 = tpu.memref_slice %arg2[%add3A_45, %dma_wait3A_61, %dma_wait3A_62] : memref<320x20x50xi32, #tpu.memory_space<hbm>> -> memref<1x20x50xi32, #tpu.memory_space<hbm>>
        %dma_wait3A_64 = tpu.memref_squeeze %dma_wait3A_63 : memref<1x20x50xi32, #tpu.memory_space<hbm>> -> memref<20x50xi32, #tpu.memory_space<hbm>>
        tpu.wait_dma2 semaphore(%run_scoped3A : memref<!tpu.dma_semaphore, #tpu.memory_space<semaphore_mem>>) src(%dma_wait3A_64 : memref<20x50xi32, #tpu.memory_space<hbm>>) dst(%arg4 : memref<20x50xi32, #tpu.memory_space<vmem>>)
        tpu.yield
      }) : () -> ()
      %scan3A_46 = arith.constant 0 : i32
      %scan3A_47 = arith.constant 20 : i32
      %scan3A_48 = arith.addi %scan3A_46, %scan3A_47 : i32
      %scan3A_49 = arith.constant 1 : i32
      scf.for %scan3A_51 = %scan3A_46 to %scan3A_48 step %scan3A_49  : i32 {
        %dma_start3A = arith.constant 0 : i32
        %dma_start3A_52 = tpu.memref_slice %arg4[%scan3A_51, %dma_start3A] : memref<20x50xi32, #tpu.memory_space<vmem>> -> memref<1x50xi32, #tpu.memory_space<vmem>>
        %dma_start3A_53 = tpu.memref_squeeze %dma_start3A_52 : memref<1x50xi32, #tpu.memory_space<vmem>> -> memref<50xi32, #tpu.memory_space<vmem>>
        %dma_start3A_54 = arith.constant 0 : i32
        %dma_start3A_55 = arith.constant 0 : i32
        %dma_start3A_56 = tpu.memref_slice %arg7[%dma_start3A_54, %dma_start3A_55] : memref<10000x16xf32, #tpu.memory_space<vmem_shared>> -> memref<10000x16xf32, #tpu.memory_space<vmem_shared>>
        tpu.enqueue_indirect_dma source(%arg5 : memref<50x16xf32, #tpu.memory_space<vmem>>) target(%dma_start3A_56 : memref<10000x16xf32, #tpu.memory_space<vmem_shared>>) offsets(%dma_start3A_53 : memref<50xi32, #tpu.memory_space<vmem>>) semaphore(%arg8 : memref<!tpu.dma_semaphore, #tpu.memory_space<semaphore_mem>>) {add = true}
        %dma_wait3A = arith.constant 0 : i32
        %dma_wait3A_57 = tpu.memref_slice %arg4[%scan3A_51, %dma_wait3A] : memref<20x50xi32, #tpu.memory_space<vmem>> -> memref<1x50xi32, #tpu.memory_space<vmem>>
        %dma_wait3A_58 = tpu.memref_squeeze %dma_wait3A_57 : memref<1x50xi32, #tpu.memory_space<vmem>> -> memref<50xi32, #tpu.memory_space<vmem>>
        %dma_wait3A_59 = arith.constant 0 : i32
        %dma_wait3A_60 = arith.constant 0 : i32
        %dma_wait3A_61 = tpu.memref_slice %arg7[%dma_wait3A_59, %dma_wait3A_60] : memref<10000x16xf32, #tpu.memory_space<vmem_shared>> -> memref<10000x16xf32, #tpu.memory_space<vmem_shared>>
        tpu.wait_indirect_dma semaphore(%arg8 : memref<!tpu.dma_semaphore, #tpu.memory_space<semaphore_mem>>) src(%arg5 : memref<50x16xf32, #tpu.memory_space<vmem>>) dst(%dma_wait3A_61 : memref<10000x16xf32, #tpu.memory_space<vmem_shared>>)
      }
      %scan3A_50 = arith.constant 20 : i32
    }
    %scan3A_33 = arith.constant 10 : i32
    %barrier3A_34 = arith.constant 0 : index
    tpu.barrier barrier_id(%barrier3A_34)
    %mul3A_35 = arith.constant 624 : i32
    %mul3A_36 = arith.muli %arg1, %mul3A_35 : i32
    %mul3A_37 = arith.constant 624 : i32
    %mul3A_38 = arith.muli %arg1, %mul3A_37 : i32
    "tpu.region"() ({
      %run_scoped3A = tpu.sem_alloc : memref<!tpu.dma_semaphore, #tpu.memory_space<semaphore_mem>>
      %dma_start3A = arith.constant 0 : i32
      %dma_start3A_42 = tpu.memref_slice %arg3[%arg0, %mul3A_38, %dma_start3A] : memref<2x10000x16xf32, #tpu.memory_space<hbm>> -> memref<1x624x16xf32, #tpu.memory_space<hbm>>
      %dma_start3A_43 = tpu.memref_squeeze %dma_start3A_42 : memref<1x624x16xf32, #tpu.memory_space<hbm>> -> memref<624x16xf32, #tpu.memory_space<hbm>>
      %dma_start3A_44 = arith.constant 0 : i32
      %dma_start3A_45 = tpu.memref_slice %arg7[%mul3A_36, %dma_start3A_44] : memref<10000x16xf32, #tpu.memory_space<vmem_shared>> -> memref<624x16xf32, #tpu.memory_space<vmem_shared>>
      tpu.enqueue_dma source(%dma_start3A_45 : memref<624x16xf32, #tpu.memory_space<vmem_shared>>) target(%dma_start3A_43 : memref<624x16xf32, #tpu.memory_space<hbm>>) target_semaphore(%run_scoped3A : memref<!tpu.dma_semaphore, #tpu.memory_space<semaphore_mem>>)
      %dma_wait3A = arith.constant 0 : i32
      %dma_wait3A_46 = tpu.memref_slice %arg3[%arg0, %mul3A_38, %dma_wait3A] : memref<2x10000x16xf32, #tpu.memory_space<hbm>> -> memref<1x624x16xf32, #tpu.memory_space<hbm>>
      %dma_wait3A_47 = tpu.memref_squeeze %dma_wait3A_46 : memref<1x624x16xf32, #tpu.memory_space<hbm>> -> memref<624x16xf32, #tpu.memory_space<hbm>>
      %dma_wait3A_48 = arith.constant 0 : i32
      %dma_wait3A_49 = tpu.memref_slice %arg7[%mul3A_36, %dma_wait3A_48] : memref<10000x16xf32, #tpu.memory_space<vmem_shared>> -> memref<624x16xf32, #tpu.memory_space<vmem_shared>>
      tpu.wait_dma2 semaphore(%run_scoped3A : memref<!tpu.dma_semaphore, #tpu.memory_space<semaphore_mem>>) src(%dma_wait3A_49 : memref<624x16xf32, #tpu.memory_space<vmem_shared>>) dst(%dma_wait3A_47 : memref<624x16xf32, #tpu.memory_space<hbm>>)
      tpu.yield
    }) : () -> ()
    %eq3A_39 = arith.constant 15 : i32
    %eq3A_40 = arith.cmpi eq, %arg1, %eq3A_39 : i32
    %convert_element_type3A = arith.extui %eq3A_40 : i1 to i32
    %cond3A = arith.constant 0 : i32
    %cond3A_41 = arith.cmpi ne, %convert_element_type3A, %cond3A : i32
    scf.if %cond3A_41 {
      "tpu.region"() ({
        %run_scoped3A = tpu.sem_alloc : memref<!tpu.dma_semaphore, #tpu.memory_space<semaphore_mem>>
        %dma_start3A = arith.constant 9984 : i32
        %dma_start3A_42 = arith.constant 0 : i32
        %dma_start3A_43 = tpu.memref_slice %arg3[%arg0, %dma_start3A, %dma_start3A_42] : memref<2x10000x16xf32, #tpu.memory_space<hbm>> -> memref<1x16x16xf32, #tpu.memory_space<hbm>>
        %dma_start3A_44 = tpu.memref_squeeze %dma_start3A_43 : memref<1x16x16xf32, #tpu.memory_space<hbm>> -> memref<16x16xf32, #tpu.memory_space<hbm>>
        %dma_start3A_45 = arith.constant 9984 : i32
        %dma_start3A_46 = arith.constant 0 : i32
        %dma_start3A_47 = tpu.memref_slice %arg7[%dma_start3A_45, %dma_start3A_46] : memref<10000x16xf32, #tpu.memory_space<vmem_shared>> -> memref<16x16xf32, #tpu.memory_space<vmem_shared>>
        tpu.enqueue_dma source(%dma_start3A_47 : memref<16x16xf32, #tpu.memory_space<vmem_shared>>) target(%dma_start3A_44 : memref<16x16xf32, #tpu.memory_space<hbm>>) target_semaphore(%run_scoped3A : memref<!tpu.dma_semaphore, #tpu.memory_space<semaphore_mem>>)
        %dma_wait3A = arith.constant 9984 : i32
        %dma_wait3A_48 = arith.constant 0 : i32
        %dma_wait3A_49 = tpu.memref_slice %arg3[%arg0, %dma_wait3A, %dma_wait3A_48] : memref<2x10000x16xf32, #tpu.memory_space<hbm>> -> memref<1x16x16xf32, #tpu.memory_space<hbm>>
        %dma_wait3A_50 = tpu.memref_squeeze %dma_wait3A_49 : memref<1x16x16xf32, #tpu.memory_space<hbm>> -> memref<16x16xf32, #tpu.memory_space<hbm>>
        %dma_wait3A_51 = arith.constant 9984 : i32
        %dma_wait3A_52 = arith.constant 0 : i32
        %dma_wait3A_53 = tpu.memref_slice %arg7[%dma_wait3A_51, %dma_wait3A_52] : memref<10000x16xf32, #tpu.memory_space<vmem_shared>> -> memref<16x16xf32, #tpu.memory_space<vmem_shared>>
        tpu.wait_dma2 semaphore(%run_scoped3A : memref<!tpu.dma_semaphore, #tpu.memory_space<semaphore_mem>>) src(%dma_wait3A_53 : memref<16x16xf32, #tpu.memory_space<vmem_shared>>) dst(%dma_wait3A_50 : memref<16x16xf32, #tpu.memory_space<hbm>>)
        tpu.yield
      }) : () -> ()
    } else {
    }
    return
  }
}

#map = affine_map<(d0, d1) -> (0, 0)>
#map1 = affine_map<(d0, d1) -> (0, 0, 0)>
module attributes {stable_mosaic.version = 14 : i64} {
  func.func @_agg_body(%arg0: i32, %arg1: i32, %arg2: memref<10000x128xf32, #tpu.memory_space<hbm>>, %arg3: memref<320x20x50xi32, #tpu.memory_space<hbm>>, %arg4: memref<320x20x50xi32, #tpu.memory_space<hbm>>, %arg5: memref<2x10000x128xf32, #tpu.memory_space<hbm>>, %arg6: memref<20x50xi32, #tpu.memory_space<vmem>>, %arg7: memref<20x50xi32, #tpu.memory_space<vmem>>, %arg8: memref<50x128xf32, #tpu.memory_space<vmem>>, %arg9: memref<50x128xf32, #tpu.memory_space<vmem>>, %arg10: memref<50x128xf32, #tpu.memory_space<vmem>>, %arg11: memref<50x128xf32, #tpu.memory_space<vmem>>, %arg12: memref<16x128xf32, #tpu.memory_space<vmem>>, %arg13: memref<10000x128xf32, #tpu.memory_space<vmem_shared>>, %arg14: memref<!tpu.dma_semaphore, #tpu.memory_space<semaphore_mem>>, %arg15: memref<!tpu.dma_semaphore, #tpu.memory_space<semaphore_mem>>, %arg16: memref<!tpu.dma_semaphore, #tpu.memory_space<semaphore_mem>>, %arg17: memref<!tpu.dma_semaphore, #tpu.memory_space<semaphore_mem>>, %arg18: memref<!tpu.dma_semaphore, #tpu.memory_space<semaphore_mem>>, %arg19: memref<!tpu.dma_semaphore, #tpu.memory_space<semaphore_mem>>) attributes {dimension_semantics = [#tpu.dimension_semantics<core_parallel>, #tpu.dimension_semantics<subcore_parallel>], iteration_bounds = array<i64: 2, 16>, scalar_prefetch = 0 : i64, scratch_operands = 14 : i64, tpu.core_type = #tpu.core_type<sc_vector_subcore>, window_params = [{transform_indices = #map}, {transform_indices = #map1}, {transform_indices = #map1}, {transform_indices = #map1}]} {
    %mul3A = arith.constant 16 : i32
    %mul3A_0 = arith.muli %arg0, %mul3A : i32
    %add3A = arith.addi %mul3A_0, %arg1 : i32
    %broadcast_in_dim3A = arith.constant 0.000000e+00 : f32
    %broadcast_in_dim3A_1 = vector.broadcast %broadcast_in_dim3A : f32 to vector<16xf32>
    %scan3A = arith.constant 0 : i32
    %scan3A_2 = arith.constant 0 : i32
    %scan3A_3 = arith.constant 16 : i32
    %scan3A_4 = arith.addi %scan3A_2, %scan3A_3 : i32
    %scan3A_5 = arith.constant 1 : i32
    scf.for %scan3A_34 = %scan3A_2 to %scan3A_4 step %scan3A_5  : i32 {
      %swap3A = arith.index_cast %scan3A_34 : i32 to index
      %swap3A_35 = arith.constant 0 : index
      %swap3A_36 = tpu.vector_load %arg12[%swap3A, %swap3A_35] {strides = array<i32>} : memref<16x128xf32, #tpu.memory_space<vmem>>, vector<1x16xf32>,
      %swap3A_37 = vector.shape_cast %swap3A_36 : vector<1x16xf32> to vector<16xf32>
      %swap3A_38 = vector.shape_cast %broadcast_in_dim3A_1 : vector<16xf32> to vector<1x16xf32>
      tpu.vector_store %arg12[%swap3A, %swap3A_35], %swap3A_38 {strides = array<i32>} : memref<16x128xf32, #tpu.memory_space<vmem>>, vector<1x16xf32>,
      %swap3A_39 = arith.index_cast %scan3A_34 : i32 to index
      %swap3A_40 = arith.constant 16 : index
      %swap3A_41 = tpu.vector_load %arg12[%swap3A_39, %swap3A_40] {strides = array<i32>} : memref<16x128xf32, #tpu.memory_space<vmem>>, vector<1x16xf32>,
      %swap3A_42 = vector.shape_cast %swap3A_41 : vector<1x16xf32> to vector<16xf32>
      %swap3A_43 = vector.shape_cast %broadcast_in_dim3A_1 : vector<16xf32> to vector<1x16xf32>
      tpu.vector_store %arg12[%swap3A_39, %swap3A_40], %swap3A_43 {strides = array<i32>} : memref<16x128xf32, #tpu.memory_space<vmem>>, vector<1x16xf32>,
      %swap3A_44 = arith.index_cast %scan3A_34 : i32 to index
      %swap3A_45 = arith.constant 32 : index
      %swap3A_46 = tpu.vector_load %arg12[%swap3A_44, %swap3A_45] {strides = array<i32>} : memref<16x128xf32, #tpu.memory_space<vmem>>, vector<1x16xf32>,
      %swap3A_47 = vector.shape_cast %swap3A_46 : vector<1x16xf32> to vector<16xf32>
      %swap3A_48 = vector.shape_cast %broadcast_in_dim3A_1 : vector<16xf32> to vector<1x16xf32>
      tpu.vector_store %arg12[%swap3A_44, %swap3A_45], %swap3A_48 {strides = array<i32>} : memref<16x128xf32, #tpu.memory_space<vmem>>, vector<1x16xf32>,
      %swap3A_49 = arith.index_cast %scan3A_34 : i32 to index
      %swap3A_50 = arith.constant 48 : index
      %swap3A_51 = tpu.vector_load %arg12[%swap3A_49, %swap3A_50] {strides = array<i32>} : memref<16x128xf32, #tpu.memory_space<vmem>>, vector<1x16xf32>,
      %swap3A_52 = vector.shape_cast %swap3A_51 : vector<1x16xf32> to vector<16xf32>
      %swap3A_53 = vector.shape_cast %broadcast_in_dim3A_1 : vector<16xf32> to vector<1x16xf32>
      tpu.vector_store %arg12[%swap3A_49, %swap3A_50], %swap3A_53 {strides = array<i32>} : memref<16x128xf32, #tpu.memory_space<vmem>>, vector<1x16xf32>,
      %swap3A_54 = arith.index_cast %scan3A_34 : i32 to index
      %swap3A_55 = arith.constant 64 : index
      %swap3A_56 = tpu.vector_load %arg12[%swap3A_54, %swap3A_55] {strides = array<i32>} : memref<16x128xf32, #tpu.memory_space<vmem>>, vector<1x16xf32>,
      %swap3A_57 = vector.shape_cast %swap3A_56 : vector<1x16xf32> to vector<16xf32>
      %swap3A_58 = vector.shape_cast %broadcast_in_dim3A_1 : vector<16xf32> to vector<1x16xf32>
      tpu.vector_store %arg12[%swap3A_54, %swap3A_55], %swap3A_58 {strides = array<i32>} : memref<16x128xf32, #tpu.memory_space<vmem>>, vector<1x16xf32>,
      %swap3A_59 = arith.index_cast %scan3A_34 : i32 to index
      %swap3A_60 = arith.constant 80 : index
      %swap3A_61 = tpu.vector_load %arg12[%swap3A_59, %swap3A_60] {strides = array<i32>} : memref<16x128xf32, #tpu.memory_space<vmem>>, vector<1x16xf32>,
      %swap3A_62 = vector.shape_cast %swap3A_61 : vector<1x16xf32> to vector<16xf32>
      %swap3A_63 = vector.shape_cast %broadcast_in_dim3A_1 : vector<16xf32> to vector<1x16xf32>
      tpu.vector_store %arg12[%swap3A_59, %swap3A_60], %swap3A_63 {strides = array<i32>} : memref<16x128xf32, #tpu.memory_space<vmem>>, vector<1x16xf32>,
      %swap3A_64 = arith.index_cast %scan3A_34 : i32 to index
      %swap3A_65 = arith.constant 96 : index
      %swap3A_66 = tpu.vector_load %arg12[%swap3A_64, %swap3A_65] {strides = array<i32>} : memref<16x128xf32, #tpu.memory_space<vmem>>, vector<1x16xf32>,
      %swap3A_67 = vector.shape_cast %swap3A_66 : vector<1x16xf32> to vector<16xf32>
      %swap3A_68 = vector.shape_cast %broadcast_in_dim3A_1 : vector<16xf32> to vector<1x16xf32>
      tpu.vector_store %arg12[%swap3A_64, %swap3A_65], %swap3A_68 {strides = array<i32>} : memref<16x128xf32, #tpu.memory_space<vmem>>, vector<1x16xf32>,
      %swap3A_69 = arith.index_cast %scan3A_34 : i32 to index
      %swap3A_70 = arith.constant 112 : index
      %swap3A_71 = tpu.vector_load %arg12[%swap3A_69, %swap3A_70] {strides = array<i32>} : memref<16x128xf32, #tpu.memory_space<vmem>>, vector<1x16xf32>,
      %swap3A_72 = vector.shape_cast %swap3A_71 : vector<1x16xf32> to vector<16xf32>
      %swap3A_73 = vector.shape_cast %broadcast_in_dim3A_1 : vector<16xf32> to vector<1x16xf32>
      tpu.vector_store %arg12[%swap3A_69, %swap3A_70], %swap3A_73 {strides = array<i32>} : memref<16x128xf32, #tpu.memory_space<vmem>>, vector<1x16xf32>,
    }
    %scan3A_6 = arith.constant 16 : i32
    %eq3A = arith.constant 15 : i32
    %eq3A_7 = arith.cmpi eq, %arg1, %eq3A : i32
    %jit3A = arith.constant 1 : i32
    %jit3A_8 = arith.constant 0 : i32
    %select_n3A = arith.select %eq3A_7, %jit3A, %jit3A_8 : i32
    %add3A_9 = arith.constant 39 : i32
    %add3A_10 = arith.addi %add3A_9, %select_n3A : i32
    %while3A = arith.constant 0 : i32
    %while3A_11 = arith.constant 0 : i32
    %while3A_12 = arith.subi %add3A_10, %while3A_11 : i32
    %while3A_13 = arith.addi %while3A_11, %while3A_12 : i32
    %while3A_14 = arith.constant 1 : i32
    %while3A_15 = arith.divsi %while3A_12, %while3A_14 : i32
    %while3A_16 = arith.muli %while3A_15, %while3A_14 : i32
    %while3A_17 = arith.addi %while3A_11, %while3A_16 : i32
    %while3A_18 = arith.constant 1 : i32
    scf.for %while3A_34 = %while3A_11 to %while3A_17 step %while3A_18  : i32 {
      %mul3A_35 = arith.constant 624 : i32
      %mul3A_36 = arith.muli %arg1, %mul3A_35 : i32
      %mul3A_37 = arith.constant 16 : i32
      %mul3A_38 = arith.muli %while3A_34, %mul3A_37 : i32
      %add3A_39 = arith.addi %mul3A_36, %mul3A_38 : i32
      "tpu.region"() ({
        %run_scoped3A = tpu.sem_alloc : memref<!tpu.dma_semaphore, #tpu.memory_space<semaphore_mem>>
        %dma_start3A = arith.constant 0 : i32
        %dma_start3A_40 = tpu.memref_slice %arg13[%add3A_39, %dma_start3A] : memref<10000x128xf32, #tpu.memory_space<vmem_shared>> -> memref<16x128xf32, #tpu.memory_space<vmem_shared>>
        %dma_start3A_41 = arith.constant 0 : i32
        %dma_start3A_42 = tpu.memref_slice %arg13[%add3A_39, %dma_start3A_41] : memref<10000x128xf32, #tpu.memory_space<vmem_shared>> -> memref<16x128xf32, #tpu.memory_space<vmem_shared>>
        tpu.enqueue_dma source(%arg12 : memref<16x128xf32, #tpu.memory_space<vmem>>) target(%dma_start3A_42 : memref<16x128xf32, #tpu.memory_space<vmem_shared>>) target_semaphore(%run_scoped3A : memref<!tpu.dma_semaphore, #tpu.memory_space<semaphore_mem>>)
        %dma_wait3A = arith.constant 0 : i32
        %dma_wait3A_43 = tpu.memref_slice %arg13[%add3A_39, %dma_wait3A] : memref<10000x128xf32, #tpu.memory_space<vmem_shared>> -> memref<16x128xf32, #tpu.memory_space<vmem_shared>>
        %dma_wait3A_44 = arith.constant 0 : i32
        %dma_wait3A_45 = tpu.memref_slice %arg13[%add3A_39, %dma_wait3A_44] : memref<10000x128xf32, #tpu.memory_space<vmem_shared>> -> memref<16x128xf32, #tpu.memory_space<vmem_shared>>
        tpu.wait_dma2 semaphore(%run_scoped3A : memref<!tpu.dma_semaphore, #tpu.memory_space<semaphore_mem>>) src(%arg12 : memref<16x128xf32, #tpu.memory_space<vmem>>) dst(%dma_wait3A_45 : memref<16x128xf32, #tpu.memory_space<vmem_shared>>)
        tpu.yield
      }) : () -> ()
    }
    %while3A_19 = arith.constant 1 : i32
    scf.for %while3A_34 = %while3A_17 to %while3A_13 step %while3A_19  : i32 {
      %mul3A_35 = arith.constant 624 : i32
      %mul3A_36 = arith.muli %arg1, %mul3A_35 : i32
      %mul3A_37 = arith.constant 16 : i32
      %mul3A_38 = arith.muli %while3A_34, %mul3A_37 : i32
      %add3A_39 = arith.addi %mul3A_36, %mul3A_38 : i32
      "tpu.region"() ({
        %run_scoped3A = tpu.sem_alloc : memref<!tpu.dma_semaphore, #tpu.memory_space<semaphore_mem>>
        %dma_start3A = arith.constant 0 : i32
        %dma_start3A_40 = tpu.memref_slice %arg13[%add3A_39, %dma_start3A] : memref<10000x128xf32, #tpu.memory_space<vmem_shared>> -> memref<16x128xf32, #tpu.memory_space<vmem_shared>>
        %dma_start3A_41 = arith.constant 0 : i32
        %dma_start3A_42 = tpu.memref_slice %arg13[%add3A_39, %dma_start3A_41] : memref<10000x128xf32, #tpu.memory_space<vmem_shared>> -> memref<16x128xf32, #tpu.memory_space<vmem_shared>>
        tpu.enqueue_dma source(%arg12 : memref<16x128xf32, #tpu.memory_space<vmem>>) target(%dma_start3A_42 : memref<16x128xf32, #tpu.memory_space<vmem_shared>>) target_semaphore(%run_scoped3A : memref<!tpu.dma_semaphore, #tpu.memory_space<semaphore_mem>>)
        %dma_wait3A = arith.constant 0 : i32
        %dma_wait3A_43 = tpu.memref_slice %arg13[%add3A_39, %dma_wait3A] : memref<10000x128xf32, #tpu.memory_space<vmem_shared>> -> memref<16x128xf32, #tpu.memory_space<vmem_shared>>
        %dma_wait3A_44 = arith.constant 0 : i32
        %dma_wait3A_45 = tpu.memref_slice %arg13[%add3A_39, %dma_wait3A_44] : memref<10000x128xf32, #tpu.memory_space<vmem_shared>> -> memref<16x128xf32, #tpu.memory_space<vmem_shared>>
        tpu.wait_dma2 semaphore(%run_scoped3A : memref<!tpu.dma_semaphore, #tpu.memory_space<semaphore_mem>>) src(%arg12 : memref<16x128xf32, #tpu.memory_space<vmem>>) dst(%dma_wait3A_45 : memref<16x128xf32, #tpu.memory_space<vmem_shared>>)
        tpu.yield
      }) : () -> ()
    }
    %barrier3A = arith.constant 0 : index
    tpu.barrier barrier_id(%barrier3A)
    %scan3A_20 = arith.constant 0 : i32
    %scan3A_21 = arith.constant 0 : i32
    %scan3A_22 = arith.constant 10 : i32
    %scan3A_23 = arith.addi %scan3A_21, %scan3A_22 : i32
    %scan3A_24 = arith.constant 1 : i32
    scf.for %scan3A_34 = %scan3A_21 to %scan3A_23 step %scan3A_24  : i32 {
      %mul3A_35 = arith.constant 10 : i32
      %mul3A_36 = arith.muli %add3A, %mul3A_35 : i32
      %add3A_37 = arith.addi %mul3A_36, %scan3A_34 : i32
      "tpu.region"() ({
        %run_scoped3A = tpu.sem_alloc : memref<!tpu.dma_semaphore, #tpu.memory_space<semaphore_mem>>
        %dma_start3A = arith.constant 0 : i32
        %dma_start3A_46 = arith.constant 0 : i32
        %dma_start3A_47 = tpu.memref_slice %arg3[%add3A_37, %dma_start3A, %dma_start3A_46] : memref<320x20x50xi32, #tpu.memory_space<hbm>> -> memref<1x20x50xi32, #tpu.memory_space<hbm>>
        %dma_start3A_48 = tpu.memref_squeeze %dma_start3A_47 : memref<1x20x50xi32, #tpu.memory_space<hbm>> -> memref<20x50xi32, #tpu.memory_space<hbm>>
        %dma_start3A_49 = arith.constant 0 : i32
        %dma_start3A_50 = arith.constant 0 : i32
        %dma_start3A_51 = tpu.memref_slice %arg3[%add3A_37, %dma_start3A_49, %dma_start3A_50] : memref<320x20x50xi32, #tpu.memory_space<hbm>> -> memref<1x20x50xi32, #tpu.memory_space<hbm>>
        %dma_start3A_52 = tpu.memref_squeeze %dma_start3A_51 : memref<1x20x50xi32, #tpu.memory_space<hbm>> -> memref<20x50xi32, #tpu.memory_space<hbm>>
        tpu.enqueue_dma source(%dma_start3A_52 : memref<20x50xi32, #tpu.memory_space<hbm>>) target(%arg6 : memref<20x50xi32, #tpu.memory_space<vmem>>) target_semaphore(%run_scoped3A : memref<!tpu.dma_semaphore, #tpu.memory_space<semaphore_mem>>)
        %dma_wait3A = arith.constant 0 : i32
        %dma_wait3A_53 = arith.constant 0 : i32
        %dma_wait3A_54 = tpu.memref_slice %arg3[%add3A_37, %dma_wait3A, %dma_wait3A_53] : memref<320x20x50xi32, #tpu.memory_space<hbm>> -> memref<1x20x50xi32, #tpu.memory_space<hbm>>
        %dma_wait3A_55 = tpu.memref_squeeze %dma_wait3A_54 : memref<1x20x50xi32, #tpu.memory_space<hbm>> -> memref<20x50xi32, #tpu.memory_space<hbm>>
        %dma_wait3A_56 = arith.constant 0 : i32
        %dma_wait3A_57 = arith.constant 0 : i32
        %dma_wait3A_58 = tpu.memref_slice %arg3[%add3A_37, %dma_wait3A_56, %dma_wait3A_57] : memref<320x20x50xi32, #tpu.memory_space<hbm>> -> memref<1x20x50xi32, #tpu.memory_space<hbm>>
        %dma_wait3A_59 = tpu.memref_squeeze %dma_wait3A_58 : memref<1x20x50xi32, #tpu.memory_space<hbm>> -> memref<20x50xi32, #tpu.memory_space<hbm>>
        tpu.wait_dma2 semaphore(%run_scoped3A : memref<!tpu.dma_semaphore, #tpu.memory_space<semaphore_mem>>) src(%dma_wait3A_59 : memref<20x50xi32, #tpu.memory_space<hbm>>) dst(%arg6 : memref<20x50xi32, #tpu.memory_space<vmem>>)
        tpu.yield
      }) : () -> ()
      %mul3A_38 = arith.constant 10 : i32
      %mul3A_39 = arith.muli %add3A, %mul3A_38 : i32
      %add3A_40 = arith.addi %mul3A_39, %scan3A_34 : i32
      "tpu.region"() ({
        %run_scoped3A = tpu.sem_alloc : memref<!tpu.dma_semaphore, #tpu.memory_space<semaphore_mem>>
        %dma_start3A = arith.constant 0 : i32
        %dma_start3A_46 = arith.constant 0 : i32
        %dma_start3A_47 = tpu.memref_slice %arg4[%add3A_40, %dma_start3A, %dma_start3A_46] : memref<320x20x50xi32, #tpu.memory_space<hbm>> -> memref<1x20x50xi32, #tpu.memory_space<hbm>>
        %dma_start3A_48 = tpu.memref_squeeze %dma_start3A_47 : memref<1x20x50xi32, #tpu.memory_space<hbm>> -> memref<20x50xi32, #tpu.memory_space<hbm>>
        %dma_start3A_49 = arith.constant 0 : i32
        %dma_start3A_50 = arith.constant 0 : i32
        %dma_start3A_51 = tpu.memref_slice %arg4[%add3A_40, %dma_start3A_49, %dma_start3A_50] : memref<320x20x50xi32, #tpu.memory_space<hbm>> -> memref<1x20x50xi32, #tpu.memory_space<hbm>>
        %dma_start3A_52 = tpu.memref_squeeze %dma_start3A_51 : memref<1x20x50xi32, #tpu.memory_space<hbm>> -> memref<20x50xi32, #tpu.memory_space<hbm>>
        tpu.enqueue_dma source(%dma_start3A_52 : memref<20x50xi32, #tpu.memory_space<hbm>>) target(%arg7 : memref<20x50xi32, #tpu.memory_space<vmem>>) target_semaphore(%run_scoped3A : memref<!tpu.dma_semaphore, #tpu.memory_space<semaphore_mem>>)
        %dma_wait3A = arith.constant 0 : i32
        %dma_wait3A_53 = arith.constant 0 : i32
        %dma_wait3A_54 = tpu.memref_slice %arg4[%add3A_40, %dma_wait3A, %dma_wait3A_53] : memref<320x20x50xi32, #tpu.memory_space<hbm>> -> memref<1x20x50xi32, #tpu.memory_space<hbm>>
        %dma_wait3A_55 = tpu.memref_squeeze %dma_wait3A_54 : memref<1x20x50xi32, #tpu.memory_space<hbm>> -> memref<20x50xi32, #tpu.memory_space<hbm>>
        %dma_wait3A_56 = arith.constant 0 : i32
        %dma_wait3A_57 = arith.constant 0 : i32
        %dma_wait3A_58 = tpu.memref_slice %arg4[%add3A_40, %dma_wait3A_56, %dma_wait3A_57] : memref<320x20x50xi32, #tpu.memory_space<hbm>> -> memref<1x20x50xi32, #tpu.memory_space<hbm>>
        %dma_wait3A_59 = tpu.memref_squeeze %dma_wait3A_58 : memref<1x20x50xi32, #tpu.memory_space<hbm>> -> memref<20x50xi32, #tpu.memory_space<hbm>>
        tpu.wait_dma2 semaphore(%run_scoped3A : memref<!tpu.dma_semaphore, #tpu.memory_space<semaphore_mem>>) src(%dma_wait3A_59 : memref<20x50xi32, #tpu.memory_space<hbm>>) dst(%arg7 : memref<20x50xi32, #tpu.memory_space<vmem>>)
        tpu.yield
      }) : () -> ()
      %scan3A_41 = arith.constant 0 : i32
      %scan3A_42 = arith.constant 20 : i32
      %scan3A_43 = arith.addi %scan3A_41, %scan3A_42 : i32
      %scan3A_44 = arith.constant 1 : i32
      scf.for %scan3A_46 = %scan3A_41 to %scan3A_43 step %scan3A_44  : i32 {
        %dma_start3A = arith.constant 0 : i32
        %dma_start3A_47 = tpu.memref_slice %arg6[%scan3A_46, %dma_start3A] : memref<20x50xi32, #tpu.memory_space<vmem>> -> memref<1x50xi32, #tpu.memory_space<vmem>>
        %dma_start3A_48 = tpu.memref_squeeze %dma_start3A_47 : memref<1x50xi32, #tpu.memory_space<vmem>> -> memref<50xi32, #tpu.memory_space<vmem>>
        %dma_start3A_49 = arith.constant 0 : i32
        %dma_start3A_50 = arith.constant 0 : i32
        %dma_start3A_51 = tpu.memref_slice %arg2[%dma_start3A_49, %dma_start3A_50] : memref<10000x128xf32, #tpu.memory_space<hbm>> -> memref<10000x128xf32, #tpu.memory_space<hbm>>
        tpu.enqueue_indirect_dma source(%dma_start3A_51 : memref<10000x128xf32, #tpu.memory_space<hbm>>) target(%arg8 : memref<50x128xf32, #tpu.memory_space<vmem>>) offsets(%dma_start3A_48 : memref<50xi32, #tpu.memory_space<vmem>>) semaphore(%arg15 : memref<!tpu.dma_semaphore, #tpu.memory_space<semaphore_mem>>)
        %dma_wait3A = arith.constant 0 : i32
        %dma_wait3A_52 = arith.constant 0 : i32
        %dma_wait3A_53 = tpu.memref_slice %arg6[%dma_wait3A, %dma_wait3A_52] : memref<20x50xi32, #tpu.memory_space<vmem>> -> memref<1x50xi32, #tpu.memory_space<vmem>>
        %dma_wait3A_54 = tpu.memref_squeeze %dma_wait3A_53 : memref<1x50xi32, #tpu.memory_space<vmem>> -> memref<50xi32, #tpu.memory_space<vmem>>
        %dma_wait3A_55 = arith.constant 0 : i32
        %dma_wait3A_56 = arith.constant 0 : i32
        %dma_wait3A_57 = tpu.memref_slice %arg2[%dma_wait3A_55, %dma_wait3A_56] : memref<10000x128xf32, #tpu.memory_space<hbm>> -> memref<10000x128xf32, #tpu.memory_space<hbm>>
        tpu.wait_indirect_dma semaphore(%arg15 : memref<!tpu.dma_semaphore, #tpu.memory_space<semaphore_mem>>) src(%dma_wait3A_57 : memref<10000x128xf32, #tpu.memory_space<hbm>>) dst(%arg8 : memref<50x128xf32, #tpu.memory_space<vmem>>)
        %dma_start3A_58 = arith.constant 0 : i32
        %dma_start3A_59 = tpu.memref_slice %arg7[%scan3A_46, %dma_start3A_58] : memref<20x50xi32, #tpu.memory_space<vmem>> -> memref<1x50xi32, #tpu.memory_space<vmem>>
        %dma_start3A_60 = tpu.memref_squeeze %dma_start3A_59 : memref<1x50xi32, #tpu.memory_space<vmem>> -> memref<50xi32, #tpu.memory_space<vmem>>
        %dma_start3A_61 = arith.constant 0 : i32
        %dma_start3A_62 = arith.constant 0 : i32
        %dma_start3A_63 = tpu.memref_slice %arg13[%dma_start3A_61, %dma_start3A_62] : memref<10000x128xf32, #tpu.memory_space<vmem_shared>> -> memref<10000x128xf32, #tpu.memory_space<vmem_shared>>
        tpu.enqueue_indirect_dma source(%arg8 : memref<50x128xf32, #tpu.memory_space<vmem>>) target(%dma_start3A_63 : memref<10000x128xf32, #tpu.memory_space<vmem_shared>>) offsets(%dma_start3A_60 : memref<50xi32, #tpu.memory_space<vmem>>) semaphore(%arg19 : memref<!tpu.dma_semaphore, #tpu.memory_space<semaphore_mem>>) {add = true}
        %dma_wait3A_64 = arith.constant 0 : i32
        %dma_wait3A_65 = tpu.memref_slice %arg7[%scan3A_46, %dma_wait3A_64] : memref<20x50xi32, #tpu.memory_space<vmem>> -> memref<1x50xi32, #tpu.memory_space<vmem>>
        %dma_wait3A_66 = tpu.memref_squeeze %dma_wait3A_65 : memref<1x50xi32, #tpu.memory_space<vmem>> -> memref<50xi32, #tpu.memory_space<vmem>>
        %dma_wait3A_67 = arith.constant 0 : i32
        %dma_wait3A_68 = arith.constant 0 : i32
        %dma_wait3A_69 = tpu.memref_slice %arg13[%dma_wait3A_67, %dma_wait3A_68] : memref<10000x128xf32, #tpu.memory_space<vmem_shared>> -> memref<10000x128xf32, #tpu.memory_space<vmem_shared>>
        tpu.wait_indirect_dma semaphore(%arg19 : memref<!tpu.dma_semaphore, #tpu.memory_space<semaphore_mem>>) src(%arg8 : memref<50x128xf32, #tpu.memory_space<vmem>>) dst(%dma_wait3A_69 : memref<10000x128xf32, #tpu.memory_space<vmem_shared>>)
      }
      %scan3A_45 = arith.constant 20 : i32
    }
    %scan3A_25 = arith.constant 10 : i32
    %barrier3A_26 = arith.constant 0 : index
    tpu.barrier barrier_id(%barrier3A_26)
    %mul3A_27 = arith.constant 624 : i32
    %mul3A_28 = arith.muli %arg1, %mul3A_27 : i32
    %mul3A_29 = arith.constant 624 : i32
    %mul3A_30 = arith.muli %arg1, %mul3A_29 : i32
    "tpu.region"() ({
      %run_scoped3A = tpu.sem_alloc : memref<!tpu.dma_semaphore, #tpu.memory_space<semaphore_mem>>
      %dma_start3A = arith.constant 0 : i32
      %dma_start3A_34 = tpu.memref_slice %arg5[%arg0, %mul3A_30, %dma_start3A] : memref<2x10000x128xf32, #tpu.memory_space<hbm>> -> memref<1x624x128xf32, #tpu.memory_space<hbm>>
      %dma_start3A_35 = tpu.memref_squeeze %dma_start3A_34 : memref<1x624x128xf32, #tpu.memory_space<hbm>> -> memref<624x128xf32, #tpu.memory_space<hbm>>
      %dma_start3A_36 = arith.constant 0 : i32
      %dma_start3A_37 = tpu.memref_slice %arg13[%mul3A_28, %dma_start3A_36] : memref<10000x128xf32, #tpu.memory_space<vmem_shared>> -> memref<624x128xf32, #tpu.memory_space<vmem_shared>>
      tpu.enqueue_dma source(%dma_start3A_37 : memref<624x128xf32, #tpu.memory_space<vmem_shared>>) target(%dma_start3A_35 : memref<624x128xf32, #tpu.memory_space<hbm>>) target_semaphore(%run_scoped3A : memref<!tpu.dma_semaphore, #tpu.memory_space<semaphore_mem>>)
      %dma_wait3A = arith.constant 0 : i32
      %dma_wait3A_38 = tpu.memref_slice %arg5[%arg0, %mul3A_30, %dma_wait3A] : memref<2x10000x128xf32, #tpu.memory_space<hbm>> -> memref<1x624x128xf32, #tpu.memory_space<hbm>>
      %dma_wait3A_39 = tpu.memref_squeeze %dma_wait3A_38 : memref<1x624x128xf32, #tpu.memory_space<hbm>> -> memref<624x128xf32, #tpu.memory_space<hbm>>
      %dma_wait3A_40 = arith.constant 0 : i32
      %dma_wait3A_41 = tpu.memref_slice %arg13[%mul3A_28, %dma_wait3A_40] : memref<10000x128xf32, #tpu.memory_space<vmem_shared>> -> memref<624x128xf32, #tpu.memory_space<vmem_shared>>
      tpu.wait_dma2 semaphore(%run_scoped3A : memref<!tpu.dma_semaphore, #tpu.memory_space<semaphore_mem>>) src(%dma_wait3A_41 : memref<624x128xf32, #tpu.memory_space<vmem_shared>>) dst(%dma_wait3A_39 : memref<624x128xf32, #tpu.memory_space<hbm>>)
      tpu.yield
    }) : () -> ()
    %eq3A_31 = arith.constant 15 : i32
    %eq3A_32 = arith.cmpi eq, %arg1, %eq3A_31 : i32
    %convert_element_type3A = arith.extui %eq3A_32 : i1 to i32
    %cond3A = arith.constant 0 : i32
    %cond3A_33 = arith.cmpi ne, %convert_element_type3A, %cond3A : i32
    scf.if %cond3A_33 {
      "tpu.region"() ({
        %run_scoped3A = tpu.sem_alloc : memref<!tpu.dma_semaphore, #tpu.memory_space<semaphore_mem>>
        %dma_start3A = arith.constant 9984 : i32
        %dma_start3A_34 = arith.constant 0 : i32
        %dma_start3A_35 = tpu.memref_slice %arg5[%arg0, %dma_start3A, %dma_start3A_34] : memref<2x10000x128xf32, #tpu.memory_space<hbm>> -> memref<1x16x128xf32, #tpu.memory_space<hbm>>
        %dma_start3A_36 = tpu.memref_squeeze %dma_start3A_35 : memref<1x16x128xf32, #tpu.memory_space<hbm>> -> memref<16x128xf32, #tpu.memory_space<hbm>>
        %dma_start3A_37 = arith.constant 9984 : i32
        %dma_start3A_38 = arith.constant 0 : i32
        %dma_start3A_39 = tpu.memref_slice %arg13[%dma_start3A_37, %dma_start3A_38] : memref<10000x128xf32, #tpu.memory_space<vmem_shared>> -> memref<16x128xf32, #tpu.memory_space<vmem_shared>>
        tpu.enqueue_dma source(%dma_start3A_39 : memref<16x128xf32, #tpu.memory_space<vmem_shared>>) target(%dma_start3A_36 : memref<16x128xf32, #tpu.memory_space<hbm>>) target_semaphore(%run_scoped3A : memref<!tpu.dma_semaphore, #tpu.memory_space<semaphore_mem>>)
        %dma_wait3A = arith.constant 9984 : i32
        %dma_wait3A_40 = arith.constant 0 : i32
        %dma_wait3A_41 = tpu.memref_slice %arg5[%arg0, %dma_wait3A, %dma_wait3A_40] : memref<2x10000x128xf32, #tpu.memory_space<hbm>> -> memref<1x16x128xf32, #tpu.memory_space<hbm>>
        %dma_wait3A_42 = tpu.memref_squeeze %dma_wait3A_41 : memref<1x16x128xf32, #tpu.memory_space<hbm>> -> memref<16x128xf32, #tpu.memory_space<hbm>>
        %dma_wait3A_43 = arith.constant 9984 : i32
        %dma_wait3A_44 = arith.constant 0 : i32
        %dma_wait3A_45 = tpu.memref_slice %arg13[%dma_wait3A_43, %dma_wait3A_44] : memref<10000x128xf32, #tpu.memory_space<vmem_shared>> -> memref<16x128xf32, #tpu.memory_space<vmem_shared>>
        tpu.wait_dma2 semaphore(%run_scoped3A : memref<!tpu.dma_semaphore, #tpu.memory_space<semaphore_mem>>) src(%dma_wait3A_45 : memref<16x128xf32, #tpu.memory_space<vmem_shared>>) dst(%dma_wait3A_42 : memref<16x128xf32, #tpu.memory_space<hbm>>)
        tpu.yield
      }) : () -> ()
    } else {
    }
    return
  }
}

module attributes {stable_mosaic.version = 14 : i64} {
  func.func @_mm1_body(%arg0: i32, %arg1: memref<1000x128xf32, #tpu.memory_space<vmem>>, %arg2: memref<128x128xf32, #tpu.memory_space<vmem>>, %arg3: memref<1x1000x16xf32, #tpu.memory_space<vmem>>, %arg4: memref<1x1000x16xf32, #tpu.memory_space<vmem>>, %arg5: memref<1000x128xf32, #tpu.memory_space<vmem>>) attributes {dimension_semantics = [#tpu.dimension_semantics<arbitrary>], iteration_bounds = array<i64: 10>, scalar_prefetch = 0 : i64, scratch_operands = 0 : i64, tpu.core_type = #tpu.core_type<tc>, window_params = [{transform_indices = @transform_0, window_bounds = array<i64: 1000, 128>}, {pipeline_mode = #tpu.pipeline_mode<synchronous>, transform_indices = @transform_1, window_bounds = array<i64: 128, 128>}, {transform_indices = @transform_2, window_bounds = array<i64: 1, 1000, 16>}, {transform_indices = @transform_3, window_bounds = array<i64: 1, 1000, 16>}, {transform_indices = @transform_4, window_bounds = array<i64: 1000, 128>}]} {
    %get3A = arith.constant 0 : index
    %get3A_0 = arith.constant 0 : index
    %get3A_1 = arith.constant 0 : index
    %get3A_2 = vector.load %arg3[%get3A, %get3A_0, %get3A_1] : memref<1x1000x16xf32, #tpu.memory_space<vmem>>, vector<1x1000x16xf32>
    %get3A_3 = vector.shape_cast %get3A_2 : vector<1x1000x16xf32> to vector<1000x16xf32>
    %slice3A = vector.extract_strided_slice %get3A_3 {offsets = [0, 0], sizes = [1000, 1], strides = [1, 1]} : vector<1000x16xf32> to vector<1000x1xf32>
    %add3A = arith.constant 1.000000e+00 : f32
    %add3A_4 = vector.broadcast %add3A : f32 to vector<1000x1xf32>
    %add3A_5 = arith.addf %add3A_4, %slice3A : vector<1000x1xf32>
    %get3A_6 = arith.constant 0 : index
    %get3A_7 = arith.constant 0 : index
    %get3A_8 = arith.constant 0 : index
    %get3A_9 = vector.load %arg4[%get3A_6, %get3A_7, %get3A_8] : memref<1x1000x16xf32, #tpu.memory_space<vmem>>, vector<1x1000x16xf32>
    %get3A_10 = vector.shape_cast %get3A_9 : vector<1x1000x16xf32> to vector<1000x16xf32>
    %slice3A_11 = vector.extract_strided_slice %get3A_10 {offsets = [0, 0], sizes = [1000, 1], strides = [1, 1]} : vector<1000x16xf32> to vector<1000x1xf32>
    %add3A_12 = arith.addf %add3A_5, %slice3A_11 : vector<1000x1xf32>
    %rsqrt3A = math.rsqrt %add3A_12 : vector<1000x1xf32>
    %get3A_13 = arith.constant 0 : index
    %get3A_14 = arith.constant 0 : index
    %get3A_15 = vector.load %arg1[%get3A_13, %get3A_14] : memref<1000x128xf32, #tpu.memory_space<vmem>>, vector<1000x128xf32>
    %get3A_16 = arith.constant 0 : index
    %get3A_17 = arith.constant 0 : index
    %get3A_18 = vector.load %arg2[%get3A_16, %get3A_17] : memref<128x128xf32, #tpu.memory_space<vmem>>, vector<128x128xf32>
    %dot_general3A = arith.constant dense<0.000000e+00> : vector<1000x128xf32>
    %dot_general3A_19 = tpu.matmul %get3A_15, %get3A_18, %dot_general3A {dimension_numbers = #tpu.dot_dimension_numbers<[1], [0], [0], [1], [0, 0, 1, 1], [], []>, transpose_lhs_hint = false} : vector<1000x128xf32>, vector<128x128xf32>, vector<1000x128xf32> -> vector<1000x128xf32>
    %mul3A = vector.broadcast %rsqrt3A : vector<1000x1xf32> to vector<1000x128xf32>
    %mul3A_20 = arith.mulf %dot_general3A_19, %mul3A : vector<1000x128xf32>
    %swap3A = arith.constant 0 : index
    %swap3A_21 = arith.constant 0 : index
    %swap3A_22 = vector.load %arg5[%swap3A, %swap3A_21] : memref<1000x128xf32, #tpu.memory_space<vmem>>, vector<1000x128xf32>
    tpu.vector_store %arg5[%swap3A, %swap3A_21], %mul3A_20 {strides = array<i32>} : memref<1000x128xf32, #tpu.memory_space<vmem>>, vector<1000x128xf32>,
    return
  }
  func.func @transform_0(%arg0: i32) -> (i32, i32) {
    %c0_i32 = arith.constant 0 : i32
    %c0_i32_0 = arith.constant 0 : i32
    return %arg0, %c0_i32 : i32, i32
  }
  func.func @transform_1(%arg0: i32) -> (i32, i32) {
    %c0_i32 = arith.constant 0 : i32
    %c0_i32_0 = arith.constant 0 : i32
    %c0_i32_1 = arith.constant 0 : i32
    return %c0_i32, %c0_i32_0 : i32, i32
  }
  func.func @transform_2(%arg0: i32) -> (i32, i32, i32) {
    %c0_i32 = arith.constant 0 : i32
    %c0_i32_0 = arith.constant 0 : i32
    %c0_i32_1 = arith.constant 0 : i32
    return %c0_i32, %arg0, %c0_i32_0 : i32, i32, i32
  }
  func.func @transform_3(%arg0: i32) -> (i32, i32, i32) {
    %c1_i32 = arith.constant 1 : i32
    %c0_i32 = arith.constant 0 : i32
    %c0_i32_0 = arith.constant 0 : i32
    return %c1_i32, %arg0, %c0_i32 : i32, i32, i32
  }
  func.func @transform_4(%arg0: i32) -> (i32, i32) {
    %c0_i32 = arith.constant 0 : i32
    %c0_i32_0 = arith.constant 0 : i32
    return %arg0, %c0_i32 : i32, i32
  }
}

module attributes {stable_mosaic.version = 14 : i64} {
  func.func @_mid_body(%arg0: i32, %arg1: memref<1x1000x128xf32, #tpu.memory_space<vmem>>, %arg2: memref<1x1000x128xf32, #tpu.memory_space<vmem>>, %arg3: memref<1000x128xf32, #tpu.memory_space<vmem>>, %arg4: memref<1x1000x16xf32, #tpu.memory_space<vmem>>, %arg5: memref<1x1000x16xf32, #tpu.memory_space<vmem>>, %arg6: memref<1x128xf32, #tpu.memory_space<vmem>>, %arg7: memref<128x128xf32, #tpu.memory_space<vmem>>, %arg8: memref<1000x128xf32, #tpu.memory_space<vmem>>) attributes {dimension_semantics = [#tpu.dimension_semantics<arbitrary>], iteration_bounds = array<i64: 10>, scalar_prefetch = 0 : i64, scratch_operands = 0 : i64, tpu.core_type = #tpu.core_type<tc>, window_params = [{transform_indices = @transform_0, window_bounds = array<i64: 1, 1000, 128>}, {transform_indices = @transform_1, window_bounds = array<i64: 1, 1000, 128>}, {transform_indices = @transform_2, window_bounds = array<i64: 1000, 128>}, {transform_indices = @transform_3, window_bounds = array<i64: 1, 1000, 16>}, {transform_indices = @transform_4, window_bounds = array<i64: 1, 1000, 16>}, {pipeline_mode = #tpu.pipeline_mode<synchronous>, transform_indices = @transform_5, window_bounds = array<i64: 1, 128>}, {pipeline_mode = #tpu.pipeline_mode<synchronous>, transform_indices = @transform_6, window_bounds = array<i64: 128, 128>}, {transform_indices = @transform_7, window_bounds = array<i64: 1000, 128>}]} {
    %get3A = arith.constant 0 : index
    %get3A_0 = arith.constant 0 : index
    %get3A_1 = arith.constant 0 : index
    %get3A_2 = vector.load %arg4[%get3A, %get3A_0, %get3A_1] : memref<1x1000x16xf32, #tpu.memory_space<vmem>>, vector<1x1000x16xf32>
    %get3A_3 = vector.shape_cast %get3A_2 : vector<1x1000x16xf32> to vector<1000x16xf32>
    %slice3A = vector.extract_strided_slice %get3A_3 {offsets = [0, 0], sizes = [1000, 1], strides = [1, 1]} : vector<1000x16xf32> to vector<1000x1xf32>
    %add3A = arith.constant 1.000000e+00 : f32
    %add3A_4 = vector.broadcast %add3A : f32 to vector<1000x1xf32>
    %add3A_5 = arith.addf %add3A_4, %slice3A : vector<1000x1xf32>
    %get3A_6 = arith.constant 0 : index
    %get3A_7 = arith.constant 0 : index
    %get3A_8 = arith.constant 0 : index
    %get3A_9 = vector.load %arg5[%get3A_6, %get3A_7, %get3A_8] : memref<1x1000x16xf32, #tpu.memory_space<vmem>>, vector<1x1000x16xf32>
    %get3A_10 = vector.shape_cast %get3A_9 : vector<1x1000x16xf32> to vector<1000x16xf32>
    %slice3A_11 = vector.extract_strided_slice %get3A_10 {offsets = [0, 0], sizes = [1000, 1], strides = [1, 1]} : vector<1000x16xf32> to vector<1000x1xf32>
    %add3A_12 = arith.addf %add3A_5, %slice3A_11 : vector<1000x1xf32>
    %rsqrt3A = math.rsqrt %add3A_12 : vector<1000x1xf32>
    %get3A_13 = arith.constant 0 : index
    %get3A_14 = arith.constant 0 : index
    %get3A_15 = arith.constant 0 : index
    %get3A_16 = vector.load %arg1[%get3A_13, %get3A_14, %get3A_15] : memref<1x1000x128xf32, #tpu.memory_space<vmem>>, vector<1x1000x128xf32>
    %get3A_17 = vector.shape_cast %get3A_16 : vector<1x1000x128xf32> to vector<1000x128xf32>
    %get3A_18 = arith.constant 0 : index
    %get3A_19 = arith.constant 0 : index
    %get3A_20 = arith.constant 0 : index
    %get3A_21 = vector.load %arg2[%get3A_18, %get3A_19, %get3A_20] : memref<1x1000x128xf32, #tpu.memory_space<vmem>>, vector<1x1000x128xf32>
    %get3A_22 = vector.shape_cast %get3A_21 : vector<1x1000x128xf32> to vector<1000x128xf32>
    %add3A_23 = arith.addf %get3A_17, %get3A_22 : vector<1000x128xf32>
    %get3A_24 = arith.constant 0 : index
    %get3A_25 = arith.constant 0 : index
    %get3A_26 = vector.load %arg3[%get3A_24, %get3A_25] : memref<1000x128xf32, #tpu.memory_space<vmem>>, vector<1000x128xf32>
    %add3A_27 = arith.addf %add3A_23, %get3A_26 : vector<1000x128xf32>
    %mul3A = vector.broadcast %rsqrt3A : vector<1000x1xf32> to vector<1000x128xf32>
    %mul3A_28 = arith.mulf %add3A_27, %mul3A : vector<1000x128xf32>
    %get3A_29 = arith.constant 0 : index
    %get3A_30 = arith.constant 0 : index
    %get3A_31 = vector.load %arg6[%get3A_29, %get3A_30] : memref<1x128xf32, #tpu.memory_space<vmem>>, vector<1x128xf32>
    %add3A_32 = vector.broadcast %get3A_31 : vector<1x128xf32> to vector<1000x128xf32>
    %add3A_33 = arith.addf %mul3A_28, %add3A_32 : vector<1000x128xf32>
    %max3A = arith.constant 0.000000e+00 : f32
    %max3A_34 = vector.broadcast %max3A : f32 to vector<1000x128xf32>
    %max3A_35 = arith.maximumf %add3A_33, %max3A_34 : vector<1000x128xf32>
    %get3A_36 = arith.constant 0 : index
    %get3A_37 = arith.constant 0 : index
    %get3A_38 = vector.load %arg7[%get3A_36, %get3A_37] : memref<128x128xf32, #tpu.memory_space<vmem>>, vector<128x128xf32>
    %dot_general3A = arith.constant dense<0.000000e+00> : vector<1000x128xf32>
    %dot_general3A_39 = tpu.matmul %max3A_35, %get3A_38, %dot_general3A {dimension_numbers = #tpu.dot_dimension_numbers<[1], [0], [0], [1], [0, 0, 1, 1], [], []>, transpose_lhs_hint = false} : vector<1000x128xf32>, vector<128x128xf32>, vector<1000x128xf32> -> vector<1000x128xf32>
    %mul3A_40 = vector.broadcast %rsqrt3A : vector<1000x1xf32> to vector<1000x128xf32>
    %mul3A_41 = arith.mulf %dot_general3A_39, %mul3A_40 : vector<1000x128xf32>
    %swap3A = arith.constant 0 : index
    %swap3A_42 = arith.constant 0 : index
    %swap3A_43 = vector.load %arg8[%swap3A, %swap3A_42] : memref<1000x128xf32, #tpu.memory_space<vmem>>, vector<1000x128xf32>
    tpu.vector_store %arg8[%swap3A, %swap3A_42], %mul3A_41 {strides = array<i32>} : memref<1000x128xf32, #tpu.memory_space<vmem>>, vector<1000x128xf32>,
    return
  }
  func.func @transform_0(%arg0: i32) -> (i32, i32, i32) {
    %c0_i32 = arith.constant 0 : i32
    %c0_i32_0 = arith.constant 0 : i32
    %c0_i32_1 = arith.constant 0 : i32
    return %c0_i32, %arg0, %c0_i32_0 : i32, i32, i32
  }
  func.func @transform_1(%arg0: i32) -> (i32, i32, i32) {
    %c1_i32 = arith.constant 1 : i32
    %c0_i32 = arith.constant 0 : i32
    %c0_i32_0 = arith.constant 0 : i32
    return %c1_i32, %arg0, %c0_i32 : i32, i32, i32
  }
  func.func @transform_2(%arg0: i32) -> (i32, i32) {
    %c0_i32 = arith.constant 0 : i32
    %c0_i32_0 = arith.constant 0 : i32
    return %arg0, %c0_i32 : i32, i32
  }
  func.func @transform_3(%arg0: i32) -> (i32, i32, i32) {
    %c0_i32 = arith.constant 0 : i32
    %c0_i32_0 = arith.constant 0 : i32
    %c0_i32_1 = arith.constant 0 : i32
    return %c0_i32, %arg0, %c0_i32_0 : i32, i32, i32
  }
  func.func @transform_4(%arg0: i32) -> (i32, i32, i32) {
    %c1_i32 = arith.constant 1 : i32
    %c0_i32 = arith.constant 0 : i32
    %c0_i32_0 = arith.constant 0 : i32
    return %c1_i32, %arg0, %c0_i32 : i32, i32, i32
  }
  func.func @transform_5(%arg0: i32) -> (i32, i32) {
    %c0_i32 = arith.constant 0 : i32
    %c0_i32_0 = arith.constant 0 : i32
    %c0_i32_1 = arith.constant 0 : i32
    return %c0_i32, %c0_i32_0 : i32, i32
  }
  func.func @transform_6(%arg0: i32) -> (i32, i32) {
    %c0_i32 = arith.constant 0 : i32
    %c0_i32_0 = arith.constant 0 : i32
    %c0_i32_1 = arith.constant 0 : i32
    return %c0_i32, %c0_i32_0 : i32, i32
  }
  func.func @transform_7(%arg0: i32) -> (i32, i32) {
    %c0_i32 = arith.constant 0 : i32
    %c0_i32_0 = arith.constant 0 : i32
    return %arg0, %c0_i32 : i32, i32
  }
}

module attributes {stable_mosaic.version = 14 : i64} {
  func.func @_fin_body(%arg0: i32, %arg1: memref<1x1000x128xf32, #tpu.memory_space<vmem>>, %arg2: memref<1x1000x128xf32, #tpu.memory_space<vmem>>, %arg3: memref<1000x128xf32, #tpu.memory_space<vmem>>, %arg4: memref<1x1000x16xf32, #tpu.memory_space<vmem>>, %arg5: memref<1x1000x16xf32, #tpu.memory_space<vmem>>, %arg6: memref<1x128xf32, #tpu.memory_space<vmem>>, %arg7: memref<1000x64xf32, #tpu.memory_space<vmem>>, %arg8: memref<1000x64xf32, #tpu.memory_space<vmem>>) attributes {dimension_semantics = [#tpu.dimension_semantics<arbitrary>], iteration_bounds = array<i64: 10>, scalar_prefetch = 0 : i64, scratch_operands = 0 : i64, tpu.core_type = #tpu.core_type<tc>, window_params = [{transform_indices = @transform_0, window_bounds = array<i64: 1, 1000, 128>}, {transform_indices = @transform_1, window_bounds = array<i64: 1, 1000, 128>}, {transform_indices = @transform_2, window_bounds = array<i64: 1000, 128>}, {transform_indices = @transform_3, window_bounds = array<i64: 1, 1000, 16>}, {transform_indices = @transform_4, window_bounds = array<i64: 1, 1000, 16>}, {pipeline_mode = #tpu.pipeline_mode<synchronous>, transform_indices = @transform_5, window_bounds = array<i64: 1, 128>}, {transform_indices = @transform_6, window_bounds = array<i64: 1000, 64>}, {transform_indices = @transform_7, window_bounds = array<i64: 1000, 64>}]} {
    %get3A = arith.constant 0 : index
    %get3A_0 = arith.constant 0 : index
    %get3A_1 = arith.constant 0 : index
    %get3A_2 = vector.load %arg4[%get3A, %get3A_0, %get3A_1] : memref<1x1000x16xf32, #tpu.memory_space<vmem>>, vector<1x1000x16xf32>
    %get3A_3 = vector.shape_cast %get3A_2 : vector<1x1000x16xf32> to vector<1000x16xf32>
    %slice3A = vector.extract_strided_slice %get3A_3 {offsets = [0, 0], sizes = [1000, 1], strides = [1, 1]} : vector<1000x16xf32> to vector<1000x1xf32>
    %add3A = arith.constant 1.000000e+00 : f32
    %add3A_4 = vector.broadcast %add3A : f32 to vector<1000x1xf32>
    %add3A_5 = arith.addf %add3A_4, %slice3A : vector<1000x1xf32>
    %get3A_6 = arith.constant 0 : index
    %get3A_7 = arith.constant 0 : index
    %get3A_8 = arith.constant 0 : index
    %get3A_9 = vector.load %arg5[%get3A_6, %get3A_7, %get3A_8] : memref<1x1000x16xf32, #tpu.memory_space<vmem>>, vector<1x1000x16xf32>
    %get3A_10 = vector.shape_cast %get3A_9 : vector<1x1000x16xf32> to vector<1000x16xf32>
    %slice3A_11 = vector.extract_strided_slice %get3A_10 {offsets = [0, 0], sizes = [1000, 1], strides = [1, 1]} : vector<1000x16xf32> to vector<1000x1xf32>
    %add3A_12 = arith.addf %add3A_5, %slice3A_11 : vector<1000x1xf32>
    %rsqrt3A = math.rsqrt %add3A_12 : vector<1000x1xf32>
    %get3A_13 = arith.constant 0 : index
    %get3A_14 = arith.constant 0 : index
    %get3A_15 = arith.constant 0 : index
    %get3A_16 = vector.load %arg1[%get3A_13, %get3A_14, %get3A_15] : memref<1x1000x128xf32, #tpu.memory_space<vmem>>, vector<1x1000x128xf32>
    %get3A_17 = vector.shape_cast %get3A_16 : vector<1x1000x128xf32> to vector<1000x128xf32>
    %get3A_18 = arith.constant 0 : index
    %get3A_19 = arith.constant 0 : index
    %get3A_20 = arith.constant 0 : index
    %get3A_21 = vector.load %arg2[%get3A_18, %get3A_19, %get3A_20] : memref<1x1000x128xf32, #tpu.memory_space<vmem>>, vector<1x1000x128xf32>
    %get3A_22 = vector.shape_cast %get3A_21 : vector<1x1000x128xf32> to vector<1000x128xf32>
    %add3A_23 = arith.addf %get3A_17, %get3A_22 : vector<1000x128xf32>
    %get3A_24 = arith.constant 0 : index
    %get3A_25 = arith.constant 0 : index
    %get3A_26 = vector.load %arg3[%get3A_24, %get3A_25] : memref<1000x128xf32, #tpu.memory_space<vmem>>, vector<1000x128xf32>
    %add3A_27 = arith.addf %add3A_23, %get3A_26 : vector<1000x128xf32>
    %mul3A = vector.broadcast %rsqrt3A : vector<1000x1xf32> to vector<1000x128xf32>
    %mul3A_28 = arith.mulf %add3A_27, %mul3A : vector<1000x128xf32>
    %get3A_29 = arith.constant 0 : index
    %get3A_30 = arith.constant 0 : index
    %get3A_31 = vector.load %arg6[%get3A_29, %get3A_30] : memref<1x128xf32, #tpu.memory_space<vmem>>, vector<1x128xf32>
    %add3A_32 = vector.broadcast %get3A_31 : vector<1x128xf32> to vector<1000x128xf32>
    %add3A_33 = arith.addf %mul3A_28, %add3A_32 : vector<1000x128xf32>
    %slice3A_34 = vector.extract_strided_slice %add3A_33 {offsets = [0, 0], sizes = [1000, 64], strides = [1, 1]} : vector<1000x128xf32> to vector<1000x64xf32>
    %swap3A = arith.constant 0 : index
    %swap3A_35 = arith.constant 0 : index
    %swap3A_36 = vector.load %arg7[%swap3A, %swap3A_35] : memref<1000x64xf32, #tpu.memory_space<vmem>>, vector<1000x64xf32>
    tpu.vector_store %arg7[%swap3A, %swap3A_35], %slice3A_34 {strides = array<i32>} : memref<1000x64xf32, #tpu.memory_space<vmem>>, vector<1000x64xf32>,
    %slice3A_37 = vector.extract_strided_slice %add3A_33 {offsets = [0, 64], sizes = [1000, 64], strides = [1, 1]} : vector<1000x128xf32> to vector<1000x64xf32>
    %swap3A_38 = arith.constant 0 : index
    %swap3A_39 = arith.constant 0 : index
    %swap3A_40 = vector.load %arg8[%swap3A_38, %swap3A_39] : memref<1000x64xf32, #tpu.memory_space<vmem>>, vector<1000x64xf32>
    tpu.vector_store %arg8[%swap3A_38, %swap3A_39], %slice3A_37 {strides = array<i32>} : memref<1000x64xf32, #tpu.memory_space<vmem>>, vector<1000x64xf32>,
    return
  }
  func.func @transform_0(%arg0: i32) -> (i32, i32, i32) {
    %c0_i32 = arith.constant 0 : i32
    %c0_i32_0 = arith.constant 0 : i32
    %c0_i32_1 = arith.constant 0 : i32
    return %c0_i32, %arg0, %c0_i32_0 : i32, i32, i32
  }
  func.func @transform_1(%arg0: i32) -> (i32, i32, i32) {
    %c1_i32 = arith.constant 1 : i32
    %c0_i32 = arith.constant 0 : i32
    %c0_i32_0 = arith.constant 0 : i32
    return %c1_i32, %arg0, %c0_i32 : i32, i32, i32
  }
  func.func @transform_2(%arg0: i32) -> (i32, i32) {
    %c0_i32 = arith.constant 0 : i32
    %c0_i32_0 = arith.constant 0 : i32
    return %arg0, %c0_i32 : i32, i32
  }
  func.func @transform_3(%arg0: i32) -> (i32, i32, i32) {
    %c0_i32 = arith.constant 0 : i32
    %c0_i32_0 = arith.constant 0 : i32
    %c0_i32_1 = arith.constant 0 : i32
    return %c0_i32, %arg0, %c0_i32_0 : i32, i32, i32
  }
  func.func @transform_4(%arg0: i32) -> (i32, i32, i32) {
    %c1_i32 = arith.constant 1 : i32
    %c0_i32 = arith.constant 0 : i32
    %c0_i32_0 = arith.constant 0 : i32
    return %c1_i32, %arg0, %c0_i32 : i32, i32, i32
  }
  func.func @transform_5(%arg0: i32) -> (i32, i32) {
    %c0_i32 = arith.constant 0 : i32
    %c0_i32_0 = arith.constant 0 : i32
    %c0_i32_1 = arith.constant 0 : i32
    return %c0_i32, %c0_i32_0 : i32, i32
  }
  func.func @transform_6(%arg0: i32) -> (i32, i32) {
    %c0_i32 = arith.constant 0 : i32
    %c0_i32_0 = arith.constant 0 : i32
    return %arg0, %c0_i32 : i32, i32
  }
  func.func @transform_7(%arg0: i32) -> (i32, i32) {
    %c0_i32 = arith.constant 0 : i32
    %c0_i32_0 = arith.constant 0 : i32
    return %arg0, %c0_i32 : i32, i32
  }
}

</mosaic_0001>

<sc_bundles>
// kernel: kernel.11.cloned.1.call-start
scs
__scs_entry_jumppad:
0x0: {  	(pc) =	sbr.rel $0x88, $3  }
0x1: {  	(tag) =	ssettag $0x0;
	lr =	simm.s32 $0x1  }
0x2: {  	[smem:$0x3F99] =	sst lr;
	_ =	strace $0xD0000000  }
0x3: {  	_ = 	snop  }
0x4: {  	_ = 	snop  }
0x5: {  	_ = 	snop  }
0x6: {  	_ = 	snop  }
0x7: {  	_ = 	snop  }
__scs_overlays_trampoline_lowered:
0x8: {  	[smem:$0x3FA8] =	sst s0  }
0x9: {  	[smem:$0x3FA9] =	sst s1  }
0xa: {  	[smem:$0x3FAA] =	sst s2  }
0xb: {  	[smem:$0x3FAB] =	sst s3  }
0xc: {  	[smem:$0x3FAC] =	sst s4  }
0xd: {  	[smem:$0x3FAD] =	sst s5  }
0xe: {  	[smem:$0x3FAE] =	sst s6  }
0xf: {  	[smem:$0x3FAF] =	sst s7  }
0x10: {  	[smem:$0x3FB0] =	sst s8  }
0x11: {  	[smem:$0x3FB1] =	sst s9;
	s0 =	simm.s32 @!p0 $0x0  }
0x12: {  	s1 =	sld [smem:$0x3F97];
	s0 =	simm.s32 @p0 $0x1  }
0x13: {  	[smem:$0x3FB2] =	sst s0;
	s0 =	simm.s32 @!p1 $0x0  }
0x14: {  	s2 =	sld [smem:$0x3F96];
	s0 =	simm.s32 @p1 $0x1  }
0x15: {  	[smem:$0x3FB3] =	sst s0;
	s0 =	simm.s32 @!p2 $0x0  }
0x16: {  	s3 =	sld [smem:$0x3FDB];
	s0 =	simm.s32 @p2 $0x1  }
0x17: {  	s4 =	simm.s32 $0x1BF5;
	[smem:$0x3FB5] =	sst s0  }
0x18: {  	s0 =	sld [smem:$0x3F98];
	_ =	swait.ge [sflag:s4], $0x0  }
0x19: {  	s7 =	sld [smem:$0x3F99]  }
0x1a: {  	s8 =	sadd.s32 $0xFFFFE003, lr  }
0x1b: {  	s9 =	sadd.s32 $0xFFFFFEF7, lr;
	s5 =	simm.s32 $0xFFFFFFFF;
	p2 =	slt.u32 s8, $0xFFFFF086  }
0x1c: {  	p1 =	slt.u32 s9, $0xF7A;
	s5 =	simm.s32 @!p2 $0x0  }
0x1d: {  	s5 =	simm.s32 @p1 $0x1;
	p0 =	seq.s32 s7, s2  }
0x1e: {  	s7 =	smul.u32 @!p0 $0xF7A, s2;
	p2 =	seq.s32 @!p0 s5, $0x0  }
0x1f: {  	s9 =	smul.u32 $0xF7A, s1;
	s8 =	simm.s32 @!p0 $0x1BF5;
	p2 =	por !p2, p0  }
0x20: {  	[sflag:s8] =	ssyncset.s32 @!p0 $0xFFFFF086;
	s6 =	sadd.s32 @!p0 s3, s7;
	s7 =	simm.s32 @!p0 $0x108  }
0x21: {  	s3 =	sadd.s32 s3, s9;
	s6 =	sadd.s32 @!p0 $0x88, s6;
	s7 =	simm.s32 @p2 $0x1082  }
0x22: {  	[simem:s7], [sflag:s8] =	dma.local @!p0 [hbm:s6], $0xF7A  }
0x23: {  	s9 =	sor.u32 $0xD0000000, s2;
	s6 =	simm.s32 $0x108;
	_ =	swait.ge @!p0 [sflag:s8], $0x0  }
0x24: {  	s3 =	sadd.s32 $0x88, s3;
	s6 =	simm.s32 @!p1 $0x1082;
	[sflag:s4] =	ssyncset.s32 $0xFFFFF086  }
0x25: {  	[simem:s6], [sflag:s4] =	dma.local [hbm:s3], $0xF7A  }
0x26: {  	[smem:$0x3F99] =	sst s1;
	(tag) =	ssettag s2;
	_ =	strace s9  }
0x27: {  	s1 =	sld [smem:$0x3FA9]  }
0x28: {  	s2 =	sld [smem:$0x3FAA]  }
0x29: {  	s4 =	sld [smem:$0x3FAC]  }
0x2a: {  	p0 =	seq.s32 s5, $0x0;
	s5 =	sld [smem:$0x3FAD]  }
0x2b: {  	s6 =	sld [smem:$0x3FAE]  }
0x2c: {  	s7 =	sld [smem:$0x3FAF]  }
0x2d: {  	s3 =	simm.s32 $0x108;
	s8 =	sld [smem:$0x3FB0]  }
0x2e: {  	s3 =	simm.s32 @!p0 $0x1082;
	s9 =	sld [smem:$0x3FB1]  }
0x2f: {  	lr =	sadd.s32 s0, s3;
	s0 =	sld [smem:$0x3FA8]  }
0x30: {  	s3 =	sld [smem:$0x3FAB]  }
0x31: {  	[smem:$0x3FB4] =	sst s10  }
0x32: {  	s10 =	sld [smem:$0x3FB2];
	_ =	sdelay $0x3  }
0x33: {  	p0 =	seq.s32 s10, $0x1;
	s10 =	sld [smem:$0x3FB4];
	_ =	sdelay $0x3  }
0x34: {  	[smem:$0x3FB4] =	sst s10  }
0x35: {  	s10 =	sld [smem:$0x3FB3];
	_ =	sdelay $0x3  }
0x36: {  	p1 =	seq.s32 s10, $0x1;
	s10 =	sld [smem:$0x3FB4];
	_ =	sdelay $0x3  }
0x37: {  	[smem:$0x3FB4] =	sst s10  }
0x38: {  	s10 =	sld [smem:$0x3FB5]  }
0x39: {  	_ = 	snop;
	(pc) =	sbr.ind lr, $3  }
0x3a: {  	_ = 	snop  }
0x3b: {  	_ = 	snop  }
0x3c: {  	p2 =	seq.s32 s10, $0x1;
	s10 =	sld [smem:$0x3FB4]  }
0x3d: {  	_ =	shalt  }
0x3e: {  	_ =	shalt  }
0x3f: {  	_ =	shalt  }
0x40: {  	_ =	shalt  }
0x41: {  	_ =	shalt  }
0x42: {  	_ =	shalt  }
0x43: {  	_ =	shalt  }
0x44: {  	_ =	shalt  }
0x45: {  	_ =	shalt  }
0x46: {  	_ =	shalt  }
0x47: {  	_ =	shalt  }
0x48: {  	_ =	shalt  }
0x49: {  	_ =	shalt  }
0x4a: {  	_ =	shalt  }
0x4b: {  	_ =	shalt  }
0x4c: {  	_ =	shalt  }
0x4d: {  	_ =	shalt  }
0x4e: {  	_ =	shalt  }
0x4f: {  	_ =	shalt  }
0x50: {  	_ =	shalt  }
0x51: {  	_ =	shalt  }
0x52: {  	_ =	shalt  }
0x53: {  	_ =	shalt  }
0x54: {  	_ =	shalt  }
0x55: {  	_ =	shalt  }
0x56: {  	_ =	shalt  }
0x57: {  	_ =	shalt  }
0x58: {  	_ =	shalt  }
0x59: {  	_ =	shalt  }
0x5a: {  	_ =	shalt  }
0x5b: {  	_ =	shalt  }
0x5c: {  	_ =	shalt  }
0x5d: {  	_ =	shalt  }
0x5e: {  	_ =	shalt  }
0x5f: {  	_ =	shalt  }
0x60: {  	_ =	shalt  }
0x61: {  	_ =	shalt  }
0x62: {  	_ =	shalt  }
0x63: {  	_ =	shalt  }
0x64: {  	_ =	shalt  }
0x65: {  	_ =	shalt  }
0x66: {  	_ =	shalt  }
0x67: {  	_ =	shalt  }
0x68: {  	_ =	shalt  }
0x69: {  	_ =	shalt  }
0x6a: {  	_ =	shalt  }
0x6b: {  	_ =	shalt  }
0x6c: {  	_ =	shalt  }
0x6d: {  	_ =	shalt  }
0x6e: {  	_ =	shalt  }
0x6f: {  	_ =	shalt  }
0x70: {  	_ =	shalt  }
0x71: {  	_ =	shalt  }
0x72: {  	_ =	shalt  }
0x73: {  	_ =	shalt  }
0x74: {  	_ =	shalt  }
0x75: {  	_ =	shalt  }
0x76: {  	_ =	shalt  }
0x77: {  	_ =	shalt  }
0x78: {  	_ =	shalt  }
0x79: {  	_ =	shalt  }
0x7a: {  	_ =	shalt  }
0x7b: {  	_ =	shalt  }
0x7c: {  	_ =	shalt  }
0x7d: {  	_ =	shalt  }
0x7e: {  	_ =	shalt  }
0x7f: {  	_ =	shalt  }
0x80: {  	_ =	shalt  }
0x81: {  	_ =	shalt  }
0x82: {  	_ =	shalt  }
0x83: {  	_ =	shalt  }
0x84: {  	_ =	shalt  }
0x85: {  	_ =	shalt  }
0x86: {  	_ =	shalt  }
0x87: {  	_ =	shalt  }
.Lfunc_end0:
.L_simem_size_0:
called_computation.1_lowered:
.L_overlay_start_0:
0x88: {  	s2 =	sld [smem:$0x3FD9]  }
0x89: {  	s3 =	sld [smem:$0x3FFE];
	_ =	sdelay $0x1  }
0x8a: {  	s1 =	srdreg.scid  }
0x8b: {  	s0 =	sand.u32 $0x1, s1  }
0x8c: {  	s16 =	sshll.u32 s0, $0xA;
	s2 =	sadd.s32 s3, s2  }
0x8d: {  	s2 =	sadd.s32 s2, s16  }
0x8e: {  	[smem:$0x3FC0] =	sst s2  }
0x8f: {  	_ = 	snop  }
0x90: {  	(tm) =	ssettm $0x1  }
0x91: {  	s17 =	sld [smem:$0x3FFB];
	_ =	sdelay $0x3  }
0x92: {  	_ =	strace s17  }
0x93: {  	s2 =	sld [smem:$0x3FFC];
	_ =	sdelay $0x3  }
0x94: {  	_ =	strace s2  }
0x95: {  	s2 =	sld [smem:$0x3FFD];
	_ =	sdelay $0x3  }
0x96: {  	_ =	strace s2  }
0x97: {  	_ =	strace $0x8FFFFFFF  }
0x98: {  	s18 =	sld [smem:$0x3FDB];
	_ =	sdelay $0x1  }
0x99: {  	s19 =	simm.s32 $_scs_section_size  }
0x9a: {  	s4 =	simm.s32 $_size__tile_overlayer_lowered;
	s5 =	simm.s32 $_tile_overlayer_lowered  }
0x9b: {  	s22 =	simm.s32 $0x1BFF;
	s21 =	sshll.u32 s5, $0x1;
	s2 =	sadd.s32 s19, s18  }
0x9c: {  	s6 =	simm.s32 $0x0;
	s20 =	sshll.u32 s4, $0x1;
	s4 =	sadd.s32 s21, s2  }
0x9d: {  	[timem:s6], [sflag:s22] =	dma.local [hbm:s4], s20  }
0x9e: {  	_ =	swait.ge [sflag:s22], s20  }
0x9f: {  	s3 =	ssub.s32 $0x0, s20;
	[sflag:s22] =	ssyncset.done $0x0  }
0xa0: {  	[sflag:s22] =	ssyncadd.s32 s3;
	_ =	sdelay $0x1  }
0xa1: {  	s23 =	simm.s32 $0x1B8B  }
0xa2: {  	_ =	swait.ge [sflag:s23], $0x1  }
0xa3: {  	[sflag:s23] =	ssyncset.done $0x0  }
0xa4: {  	s25 =	simm.s32 $0x1B8E;
	s24 =	sld [smem:$0x3FFE];
	[sflag:s23] =	ssyncadd.s32 $0xFFFFFFFF  }
0xa5: {  	s26 =	simm.s32 $execute0_lowered;
	[smem:$0x3FD2] =	sst s25  }
0xa6: {  	s4 =	sshll.u32 s26, $0x1;
	_ =	strace $0x80000049;
	[dreg:$0x1] =	wrdreg $0xFFFFFFFF  }
0xa7: {  	s28 =	simm.s32 $_size_execute0_lowered;
	s2 =	sadd.s32 s2, s4;
	[dreg:$0x0] =	wrdreg $0x0  }
0xa8: {  	s4 =	sshll.u32 s28, $0x1;
	[dreg:$0x2] =	wrdreg s2  }
0xa9: {  	[dreg:$0x3] =	wrdreg s4  }
0xaa: {  	[dreg:$0x4] =	wrdreg $0xC0  }
0xab: {  	_ =	task [dreg:s6], $0x5FFFF  }
0xac: {  	[dreg:$0x1] =	wrdreg $0xFFFFFFFF  }
0xad: {  	[dreg:$0x0] =	wrdreg $0x60  }
0xae: {  	[dreg:$0x2] =	wrdreg s24  }
0xaf: {  	[dreg:$0x3] =	wrdreg $0x3C000  }
0xb0: {  	[dreg:$0x4] =	wrdreg $0x9  }
0xb1: {  	_ =	task.clear_ibuf [dreg:s6], $0x5FFFF;
	_ =	strace $0x90000049  }
0xb2: {  	s29 =	simm.s32 $0x9;
	_ =	strace $0x8000004B  }
0xb3: {  	_ =	swait.ge [sflag:s29], $0x1  }
0xb4: {  	[sflag:s29] =	ssyncadd.s32 $0xFFFFFFFF  }
0xb5: {  	_ =	strace $0x9000004B  }
0xb6: {  	_ =	sfence  }
0xb7: {  	s30 =	sld [smem:$0x0];
	_ =	sdelay $0x2  }
0xb8: {  	s31 =	sshll.u32 s1, $0xD;
	s1 =	sshrl.u32 s1, $0x2  }
0xb9: {  	s3 =	sand.u32 $0x4000, s31;
	s1 =	sadd.s32 s1, s30  }
0xba: {  	s0 =	sor.u32 s3, s0;
	s1 =	sshll.u32 s1, $0x11  }
0xbb: {  	s0 =	sor.u32 s1, s0  }
0xbc: {  	s0 =	sadd.s32 $0x8F2B, s0  }
0xbd: {  	[sflag:s0] =	ssyncadd.remote.s32 $0x1  }
0xbe: {  	_ =	sfence.sel $0xFFFF  }
0xbf: {  	[dreg:$0x0] =	wrdreg $0xFFFFFFFF;
	(pc) =	sbr.abs _section_cstart, $3  }
0xc0: {  	[dreg:$0x1] =	wrdreg $0xFFFFFFFF  }
0xc1: {  	_ =	task.clear_ibuf [dreg:s6], $0x2FFFF;
	_ =	strace $0x9FFFFFFF  }
0xc2: {  	(tm) =	ssettm $0x7FFFFFFF  }
0xc3: {  	_ =	shalt  }
tec
execute0_lowered:
.L_overlay_start_1:
0x0: {  	(tag) =	ssettag $0x1  }
0x1: {  	s7 =	rddreg [dreg:$0x0]  }
0x2: {  	s1 =	rddreg [dreg:$0x1]  }
0x3: {  	s0 =	rddreg [dreg:$0x2];
	s2 =	simm.s32 $0x0;
	s6 =	srdreg.scid  }
0x4: {  	s3 =	stileid.u32;
	s15 =	simm.s32 $0xC00;
	s16 =	simm.s32 $0x32  }
0x5: {  	s17 =	simm.s32 $0x1800;
	s18 =	simm.s32 $0x1;
	s19 =	simm.s32 $0x2  }
0x6: {  	[smem:$0x7FF] =	sst s2;
	s4 =	sadd.s32 $0x8C800, s7;
	s5 =	sadd.s32 $0x6E800, s7  }
0x7: {  	s8 =	sand.u32 $0x1, s6;
	s6 =	sadd.s32 $0x2600, s7;
	s10 =	smul.u32 $0x4E000, s3  }
0x8: {  	s11 =	sadd.s32 $0xB3A00, s7;
	s29 =	smul.u32 $0x13800, s3;
	p0 =	seq.s32 s3, $0xF  }
0x9: {  	s7 =	simm.s32 $0x28;
	s20 =	sadd.s32 $0x138000, s1;
	_ =	strace $0x8000004A  }
0xa: {  	s9 =	ssub.s32 $0x2, s8;
	s12 =	smul.u32 $0x138800, s8;
	s28 =	sshll.u32 s8, $0x4  }
0xb: {  	s7 =	simm.s32 @!p0 $0x27;
	p0 =	sne.s32 s3, $0xF;
	s26 =	sshrl.u32 s9, $0x1  }
0xc: {  	s30 =	sor.u32 s3, s28;
	s10 =	sshrl.u32 s10, $0x2;
	s20 =	sshrl.u32 @!p0 s20, $0x3  }
0xd: {  	s13 =	ssub.s32 s9, s26;
	s14 =	sadd.s32 s29, s12;
	s8 =	sadd.s32 s10, s1  }
0xe: {  	s12 =	sshrl.u32 s12, $0x3;
	s9 =	smul.u32 $0xA, s30;
	s31 =	sshrl.u32 s14, $0x3  }
0xf: {  	s14 =	simm.s32 $0x3;
	s10 =	sadd.s32 s11, s31;
	s11 =	sadd.s32 s11, s12  }
0x10: {  	v0 =	vimm.f32 $0.0e+00;
	s12 =	smax.u32 s13, $0x1;
	s13 =	simm.s32 $0x3400;
	s11 =	sadd.s32 $0x27000, s11  }
.LBB2_1:
0x11: {  	s21 =	simm.s32 $0x0;
	s22 =	simm.s32 $0x200  }
.LBB2_2:
0x12: {  	p1 =	sne.s32 s22, $0x1E00;
	[tilespmem:s21+$0x3470] =	vst v0  }
0x13: {  	[tilespmem:s21+$0x3400] =	vst v0  }
0x14: {  	[tilespmem:s21+$0x3410] =	vst v0  }
.Ltmp0:
0x15: {  	[tilespmem:s21+$0x3420] =	vst v0;
	(pc) =	sbr.rel @p1 .LBB2_2-.Ltmp0, $4  }
0x16: {  	[tilespmem:s21+$0x3430] =	vst v0  }
0x17: {  	[tilespmem:s21+$0x3440] =	vst v0  }
0x18: {  	[tilespmem:s21+$0x3450] =	vst v0  }
0x19: {  	[tilespmem:s21+$0x3460] =	vst v0;
	s21 =	sshra.s32 s22, $0x2;
	s22 =	sadd.s32 $0x200, s22  }
0x1a: {  	[tilespmem:s21+$0x3470] =	vst v0  }
0x1b: {  	[tilespmem:s21+$0x3400] =	vst v0  }
0x1c: {  	[tilespmem:s21+$0x3410] =	vst v0  }
0x1d: {  	[tilespmem:s21+$0x3420] =	vst v0  }
0x1e: {  	[tilespmem:s21+$0x3430] =	vst v0  }
0x1f: {  	[tilespmem:s21+$0x3440] =	vst v0;
	p1 =	sne.s32 s7, $0x1  }
.Ltmp1:
0x20: {  	[tilespmem:s21+$0x3450] =	vst v0;
	(pc) =	sbr.rel @!p1 .LBB2_5-.Ltmp1, $4  }
0x21: {  	[tilespmem:s21+$0x3460] =	vst v0  }
0x22: {  	[spmem:s8] =	stream.linear.scatter [tilespmem:s13], [sflag:$0x3], $0x800, $0x38;
	[tilespmem:$0x17480] =	vst v63  }
0x23: {  	_ =	swait.ge [sflag:s14], $0x800  }
0x24: {  	s21 =	sadd.s32 $0xFFFFFFFF, s7;
	s22 =	smov.u32 s8;
	[sflag:s14] =	ssyncset.done $0x0  }
.LBB2_4:
0x25: {  	p1 =	sne.s32 s21, $0x1;
	[sflag:s14] =	ssyncadd.s32 $0xFFFFF800;
	s22 =	sadd.s32 $0x800, s22  }
.Ltmp2:
0x26: {  	s21 =	sadd.s32 $0xFFFFFFFF, s21;
	(pc) =	sbr.rel @p1 .LBB2_4-.Ltmp2, $4  }
0x27: {  	_ = 	snop  }
0x28: {  	[spmem:s22] =	stream.linear.scatter [tilespmem:s13], [sflag:$0x3], $0x800, $0x38;
	[tilespmem:$0x17480] =	vst v63  }
0x29: {  	_ =	swait.ge [sflag:s14], $0x800  }
0x2a: {  	[sflag:s14] =	ssyncset.done $0x0  }
.LBB2_5:
0x2b: {  	[sflag:s14] =	ssyncadd.s32 $0xFFFFF800  }
0x2c: {  	s21 =	simm.s32 $0x0;
	s22 =	simm.s32 $0x0;
	[bflag:$0x0] =	sbarrier.arrive $0xFFFF  }
.LBB2_6:
0x2d: {  	s23 =	sadd.s32 s9, s22  }
0x2e: {  	s23 =	smul.u32 $0x180, s23;
	_ =	sdelay $0x1  }
0x2f: {  	s24 =	sadd.s32 s5, s23  }
0x30: {  	[tilespmem:s21], [sflag:$0x3] =	stream.linear.gather [hbm4b:s24+s21], $0xA00, $0x38;
	[tilespmem:$0x17480] =	vst v63  }
0x31: {  	_ =	swait.ge [sflag:s14], $0xA00  }
0x32: {  	[sflag:s14] =	ssyncset.done $0x0  }
0x33: {  	s23 =	sadd.s32 s6, s23;
	[sflag:s14] =	ssyncadd.s32 $0xFFFFF600  }
0x34: {  	[tilespmem:s15], [sflag:$0x3] =	stream.linear.gather [hbm4b:s23+s21], $0xA00, $0x38;
	[tilespmem:$0x17480] =	vst v63  }
0x35: {  	_ =	swait.ge [sflag:s14], $0xA00  }
0x36: {  	[sflag:s14] =	ssyncset.done $0x0  }
0x37: {  	s30 =	simm.s32 $0x0;
	[sflag:s14] =	ssyncadd.s32 $0xFFFFF600  }
0x38: {  	[tilespmem:s17], [sflag:$0x1] =	stream.indirect.gather [hbm4b:s4+s16], $0x80, s30, s16, $0xb8;
	[tilespmem:$0x17480] =	vst v63  }
0x39: {  	_ =	swait.ge [sflag:s18], $0x1900  }
0x3a: {  	[sflag:s18] =	ssyncset.done $0x0  }
0x3b: {  	s31 =	simm.s32 $0xC00;
	[sflag:s18] =	ssyncadd.s32 $0xFFFFE700  }
0x3c: {  	[spmem:s1] =	stream.indirect.scatter.add.f32 [tilespmem:s17], [sflag:$0x2], $0x80, s31, s16, $0xb8;
	[tilespmem:$0x17480] =	vst v63  }
0x3d: {  	_ =	swait.ge [sflag:s19], $0x1900  }
0x3e: {  	s24 =	simm.s32 $0x400;
	s23 =	simm.s32 $0x200;
	[sflag:s19] =	ssyncset.done $0x0  }
.LBB2_7:
0x3f: {  	s25 =	sshra.s32 s23, $0x2  }
0x40: {  	[sflag:s19] =	ssyncadd.s32 $0xFFFFE700;
	s23 =	smov.u32 s24;
	s26 =	sadd.s32 $0x200, s24  }
0x41: {  	[tilespmem:s17], [sflag:$0x1] =	stream.indirect.gather [hbm4b:s4+s16], $0x80, s25, s16, $0xb8;
	[tilespmem:$0x17480] =	vst v63  }
0x42: {  	p1 =	sne.s32 s24, $0x2600;
	_ =	swait.ge [sflag:s18], $0x1900  }
.Ltmp3:
0x43: {  	[sflag:s18] =	ssyncset.done $0x0;
	(pc) =	sbr.rel @p1 .LBB2_7-.Ltmp3, $4  }
0x44: {  	s24 =	sadd.s32 $0xC00, s25;
	[sflag:s18] =	ssyncadd.s32 $0xFFFFE700  }
0x45: {  	[spmem:s1] =	stream.indirect.scatter.add.f32 [tilespmem:s17], [sflag:$0x2], $0x80, s24, s16, $0xb8;
	[tilespmem:$0x17480] =	vst v63  }
0x46: {  	_ =	swait.ge [sflag:s19], $0x1900  }
0x47: {  	s24 =	smov.u32 s26;
	[sflag:s19] =	ssyncset.done $0x0  }
0x48: {  	s23 =	sshra.s32 s23, $0x2;
	[sflag:s19] =	ssyncadd.s32 $0xFFFFE700  }
0x49: {  	[tilespmem:s17], [sflag:$0x1] =	stream.indirect.gather [hbm4b:s4+s16], $0x80, s23, s16, $0xb8;
	[tilespmem:$0x17480] =	vst v63  }
0x4a: {  	s22 =	sadd.s32 $0x1, s22;
	_ =	swait.ge [sflag:s18], $0x1900  }
0x4b: {  	p1 =	sne.s32 s22, $0xA;
	[sflag:s18] =	ssyncset.done $0x0  }
.Ltmp4:
0x4c: {  	s23 =	sadd.s32 $0xC00, s23;
	[sflag:s18] =	ssyncadd.s32 $0xFFFFE700;
	(pc) =	sbr.rel @p1 .LBB2_6-.Ltmp4, $4  }
0x4d: {  	[spmem:s1] =	stream.indirect.scatter.add.f32 [tilespmem:s17], [sflag:$0x2], $0x80, s23, s16, $0xb8;
	[tilespmem:$0x17480] =	vst v63  }
0x4e: {  	_ =	swait.ge [sflag:s19], $0x1900  }
0x4f: {  	[sflag:s19] =	ssyncset.done $0x0  }
0x50: {  	[sflag:s19] =	ssyncadd.s32 $0xFFFFE700  }
0x51: {  	s21 =	sshll.u32 s3, $0x6  }
0x52: {  	[bflag:$0x0] =	sbarrier.arrive $0xFFFF;
	s22 =	sshrl.u32 s8, $0x3;
	s21 =	sor.u32 $0x1C03, s21  }
0x53: {  	[hbm:s10], [sflag:s21] =	dma.local [spmem:s22], $0x2700  }
0x54: {  	_ =	swait.ge [sflag:s14], $0x2700  }
0x55: {  	s2 =	sadd.s32 $0x1, s2;
	[sflag:s14] =	ssyncset.done $0x0  }
0x56: {  	p1 =	sne.s32 s2, s12;
	[sflag:s14] =	ssyncadd.s32 $0xFFFFD900  }
0x57: {  	[hbm:s11], [sflag:s21] =	dma.local @!p0 [spmem:s20], $0x100  }
.Ltmp5:
0x58: {  	_ = 	snop;
	(pc) =	sbr.rel @p1 .LBB2_1-.Ltmp5, $4  }
0x59: {  	s21 =	simm.s32 @!p0 $0x3  }
0x5a: {  	_ =	swait.ge @!p0 [sflag:s21], $0x100  }
0x5b: {  	[sflag:s21] =	ssyncset.done @!p0 $0x0  }
0x5c: {  	[sflag:s21] =	ssyncadd.s32 @!p0 $0xFFFFFF00  }
0x5d: {  	_ =	sfence.sel $0x180000  }
0x5e: {  	[bflag:$0x0] =	sbarrier.arrive $0xFFFF  }
0x5f: {  	p0 =	sne.s32 s3, $0x0;
	_ =	strace $0x9000004A  }
0x60: {  	s0 =	sadd.s32 @!p0 $0x100000, s0;
	[bflag:$0x2] =	sbarrier.arrive $0xFFFF  }
0x61: {  	[sflag:s0] =	ssyncadd.tile.s32 @!p0 $0x1;
	_ =	shalt  }
.Lfunc_end2:
_tile_overlayer_lowered:
.L_overlay_start_2:
0x62: {  	(tag) =	ssettag $0x2  }
0x63: {  	s0 =	rddreg [dreg:$0x0];
	s2 =	stileid.u32  }
0x64: {  	s1 =	rddreg [dreg:$0x1];
	p0 =	sne.s32 s2, $0x0  }
0x65: {  	s3 =	rddreg [dreg:$0x2];
	[bflag:$0x3] =	sbarrier.arrive $0xFFFF;
	s2 =	simm.s32 @!p0 $0x1C03  }
0x66: {  	[timem:s3], [sflag:s2] =	dma.local @!p0 [hbm:s0], s1  }
0x67: {  	s0 =	simm.s32 @!p0 $0x3  }
0x68: {  	_ =	swait.ge @!p0 [sflag:s0], s1  }
0x69: {  	s1 =	ssub.s32 @!p0 $0x0, s1;
	[sflag:s0] =	ssyncset.done @!p0 $0x0  }
0x6a: {  	[sflag:s0] =	ssyncadd.s32 @!p0 s1  }
0x6b: {  	[bflag:$0x3] =	sbarrier.arrive $0xFFFF  }
0x6c: {  	_ =	shalt  }

// kernel: kernel.14.cloned.1.call-start
scs
__scs_entry_jumppad:
0x0: {  	(pc) =	sbr.rel $0x88, $3  }
0x1: {  	(tag) =	ssettag $0x0;
	lr =	simm.s32 $0x1  }
0x2: {  	[smem:$0x3F99] =	sst lr;
	_ =	strace $0xD0000000  }
0x3: {  	_ = 	snop  }
0x4: {  	_ = 	snop  }
0x5: {  	_ = 	snop  }
0x6: {  	_ = 	snop  }
0x7: {  	_ = 	snop  }
__scs_overlays_trampoline_lowered:
0x8: {  	[smem:$0x3FA8] =	sst s0  }
0x9: {  	[smem:$0x3FA9] =	sst s1  }
0xa: {  	[smem:$0x3FAA] =	sst s2  }
0xb: {  	[smem:$0x3FAB] =	sst s3  }
0xc: {  	[smem:$0x3FAC] =	sst s4  }
0xd: {  	[smem:$0x3FAD] =	sst s5  }
0xe: {  	[smem:$0x3FAE] =	sst s6  }
0xf: {  	[smem:$0x3FAF] =	sst s7  }
0x10: {  	[smem:$0x3FB0] =	sst s8  }
0x11: {  	[smem:$0x3FB1] =	sst s9;
	s0 =	simm.s32 @!p0 $0x0  }
0x12: {  	s1 =	sld [smem:$0x3F97];
	s0 =	simm.s32 @p0 $0x1  }
0x13: {  	[smem:$0x3FB2] =	sst s0;
	s0 =	simm.s32 @!p1 $0x0  }
0x14: {  	s2 =	sld [smem:$0x3F96];
	s0 =	simm.s32 @p1 $0x1  }
0x15: {  	[smem:$0x3FB3] =	sst s0;
	s0 =	simm.s32 @!p2 $0x0  }
0x16: {  	s3 =	sld [smem:$0x3FDB];
	s0 =	simm.s32 @p2 $0x1  }
0x17: {  	s4 =	simm.s32 $0x1BF5;
	[smem:$0x3FB5] =	sst s0  }
0x18: {  	s0 =	sld [smem:$0x3F98];
	_ =	swait.ge [sflag:s4], $0x0  }
0x19: {  	s7 =	sld [smem:$0x3F99]  }
0x1a: {  	s8 =	sadd.s32 $0xFFFFE003, lr  }
0x1b: {  	s9 =	sadd.s32 $0xFFFFFEF7, lr;
	s5 =	simm.s32 $0xFFFFFFFF;
	p2 =	slt.u32 s8, $0xFFFFF086  }
0x1c: {  	p1 =	slt.u32 s9, $0xF7A;
	s5 =	simm.s32 @!p2 $0x0  }
0x1d: {  	s5 =	simm.s32 @p1 $0x1;
	p0 =	seq.s32 s7, s2  }
0x1e: {  	s7 =	smul.u32 @!p0 $0xF7A, s2;
	p2 =	seq.s32 @!p0 s5, $0x0  }
0x1f: {  	s9 =	smul.u32 $0xF7A, s1;
	s8 =	simm.s32 @!p0 $0x1BF5;
	p2 =	por !p2, p0  }
0x20: {  	[sflag:s8] =	ssyncset.s32 @!p0 $0xFFFFF086;
	s6 =	sadd.s32 @!p0 s3, s7;
	s7 =	simm.s32 @!p0 $0x108  }
0x21: {  	s3 =	sadd.s32 s3, s9;
	s6 =	sadd.s32 @!p0 $0x88, s6;
	s7 =	simm.s32 @p2 $0x1082  }
0x22: {  	[simem:s7], [sflag:s8] =	dma.local @!p0 [hbm:s6], $0xF7A  }
0x23: {  	s9 =	sor.u32 $0xD0000000, s2;
	s6 =	simm.s32 $0x108;
	_ =	swait.ge @!p0 [sflag:s8], $0x0  }
0x24: {  	s3 =	sadd.s32 $0x88, s3;
	s6 =	simm.s32 @!p1 $0x1082;
	[sflag:s4] =	ssyncset.s32 $0xFFFFF086  }
0x25: {  	[simem:s6], [sflag:s4] =	dma.local [hbm:s3], $0xF7A  }
0x26: {  	[smem:$0x3F99] =	sst s1;
	(tag) =	ssettag s2;
	_ =	strace s9  }
0x27: {  	s1 =	sld [smem:$0x3FA9]  }
0x28: {  	s2 =	sld [smem:$0x3FAA]  }
0x29: {  	s4 =	sld [smem:$0x3FAC]  }
0x2a: {  	p0 =	seq.s32 s5, $0x0;
	s5 =	sld [smem:$0x3FAD]  }
0x2b: {  	s6 =	sld [smem:$0x3FAE]  }
0x2c: {  	s7 =	sld [smem:$0x3FAF]  }
0x2d: {  	s3 =	simm.s32 $0x108;
	s8 =	sld [smem:$0x3FB0]  }
0x2e: {  	s3 =	simm.s32 @!p0 $0x1082;
	s9 =	sld [smem:$0x3FB1]  }
0x2f: {  	lr =	sadd.s32 s0, s3;
	s0 =	sld [smem:$0x3FA8]  }
0x30: {  	s3 =	sld [smem:$0x3FAB]  }
0x31: {  	[smem:$0x3FB4] =	sst s10  }
0x32: {  	s10 =	sld [smem:$0x3FB2];
	_ =	sdelay $0x3  }
0x33: {  	p0 =	seq.s32 s10, $0x1;
	s10 =	sld [smem:$0x3FB4];
	_ =	sdelay $0x3  }
0x34: {  	[smem:$0x3FB4] =	sst s10  }
0x35: {  	s10 =	sld [smem:$0x3FB3];
	_ =	sdelay $0x3  }
0x36: {  	p1 =	seq.s32 s10, $0x1;
	s10 =	sld [smem:$0x3FB4];
	_ =	sdelay $0x3  }
0x37: {  	[smem:$0x3FB4] =	sst s10  }
0x38: {  	s10 =	sld [smem:$0x3FB5]  }
0x39: {  	_ = 	snop;
	(pc) =	sbr.ind lr, $3  }
0x3a: {  	_ = 	snop  }
0x3b: {  	_ = 	snop  }
0x3c: {  	p2 =	seq.s32 s10, $0x1;
	s10 =	sld [smem:$0x3FB4]  }
0x3d: {  	_ =	shalt  }
0x3e: {  	_ =	shalt  }
0x3f: {  	_ =	shalt  }
0x40: {  	_ =	shalt  }
0x41: {  	_ =	shalt  }
0x42: {  	_ =	shalt  }
0x43: {  	_ =	shalt  }
0x44: {  	_ =	shalt  }
0x45: {  	_ =	shalt  }
0x46: {  	_ =	shalt  }
0x47: {  	_ =	shalt  }
0x48: {  	_ =	shalt  }
0x49: {  	_ =	shalt  }
0x4a: {  	_ =	shalt  }
0x4b: {  	_ =	shalt  }
0x4c: {  	_ =	shalt  }
0x4d: {  	_ =	shalt  }
0x4e: {  	_ =	shalt  }
0x4f: {  	_ =	shalt  }
0x50: {  	_ =	shalt  }
0x51: {  	_ =	shalt  }
0x52: {  	_ =	shalt  }
0x53: {  	_ =	shalt  }
0x54: {  	_ =	shalt  }
0x55: {  	_ =	shalt  }
0x56: {  	_ =	shalt  }
0x57: {  	_ =	shalt  }
0x58: {  	_ =	shalt  }
0x59: {  	_ =	shalt  }
0x5a: {  	_ =	shalt  }
0x5b: {  	_ =	shalt  }
0x5c: {  	_ =	shalt  }
0x5d: {  	_ =	shalt  }
0x5e: {  	_ =	shalt  }
0x5f: {  	_ =	shalt  }
0x60: {  	_ =	shalt  }
0x61: {  	_ =	shalt  }
0x62: {  	_ =	shalt  }
0x63: {  	_ =	shalt  }
0x64: {  	_ =	shalt  }
0x65: {  	_ =	shalt  }
0x66: {  	_ =	shalt  }
0x67: {  	_ =	shalt  }
0x68: {  	_ =	shalt  }
0x69: {  	_ =	shalt  }
0x6a: {  	_ =	shalt  }
0x6b: {  	_ =	shalt  }
0x6c: {  	_ =	shalt  }
0x6d: {  	_ =	shalt  }
0x6e: {  	_ =	shalt  }
0x6f: {  	_ =	shalt  }
0x70: {  	_ =	shalt  }
0x71: {  	_ =	shalt  }
0x72: {  	_ =	shalt  }
0x73: {  	_ =	shalt  }
0x74: {  	_ =	shalt  }
0x75: {  	_ =	shalt  }
0x76: {  	_ =	shalt  }
0x77: {  	_ =	shalt  }
0x78: {  	_ =	shalt  }
0x79: {  	_ =	shalt  }
0x7a: {  	_ =	shalt  }
0x7b: {  	_ =	shalt  }
0x7c: {  	_ =	shalt  }
0x7d: {  	_ =	shalt  }
0x7e: {  	_ =	shalt  }
0x7f: {  	_ =	shalt  }
0x80: {  	_ =	shalt  }
0x81: {  	_ =	shalt  }
0x82: {  	_ =	shalt  }
0x83: {  	_ =	shalt  }
0x84: {  	_ =	shalt  }
0x85: {  	_ =	shalt  }
0x86: {  	_ =	shalt  }
0x87: {  	_ =	shalt  }
.Lfunc_end0:
.L_simem_size_0:
called_computation.2_lowered:
.L_overlay_start_0:
0x88: {  	s2 =	sld [smem:$0x3FD9]  }
0x89: {  	s3 =	sld [smem:$0x3FFE];
	_ =	sdelay $0x1  }
0x8a: {  	s1 =	srdreg.scid  }
0x8b: {  	s0 =	sand.u32 $0x1, s1  }
0x8c: {  	s16 =	sshll.u32 s0, $0xA;
	s2 =	sadd.s32 s3, s2  }
0x8d: {  	s2 =	sadd.s32 s2, s16  }
0x8e: {  	[smem:$0x3FC0] =	sst s2  }
0x8f: {  	_ = 	snop  }
0x90: {  	(tm) =	ssettm $0x1  }
0x91: {  	s17 =	sld [smem:$0x3FFB];
	_ =	sdelay $0x3  }
0x92: {  	_ =	strace s17  }
0x93: {  	s2 =	sld [smem:$0x3FFC];
	_ =	sdelay $0x3  }
0x94: {  	_ =	strace s2  }
0x95: {  	s2 =	sld [smem:$0x3FFD];
	_ =	sdelay $0x3  }
0x96: {  	_ =	strace s2  }
0x97: {  	_ =	strace $0x8FFFFFFF  }
0x98: {  	s18 =	sld [smem:$0x3FDB];
	_ =	sdelay $0x1  }
0x99: {  	s19 =	simm.s32 $_scs_section_size  }
0x9a: {  	s4 =	simm.s32 $_size__tile_overlayer_lowered;
	s5 =	simm.s32 $_tile_overlayer_lowered  }
0x9b: {  	s22 =	simm.s32 $0x1BFF;
	s21 =	sshll.u32 s5, $0x1;
	s2 =	sadd.s32 s19, s18  }
0x9c: {  	s6 =	simm.s32 $0x0;
	s20 =	sshll.u32 s4, $0x1;
	s4 =	sadd.s32 s21, s2  }
0x9d: {  	[timem:s6], [sflag:s22] =	dma.local [hbm:s4], s20  }
0x9e: {  	_ =	swait.ge [sflag:s22], s20  }
0x9f: {  	s3 =	ssub.s32 $0x0, s20;
	[sflag:s22] =	ssyncset.done $0x0  }
0xa0: {  	[sflag:s22] =	ssyncadd.s32 s3;
	_ =	sdelay $0x1  }
0xa1: {  	s23 =	simm.s32 $0x1B8B  }
0xa2: {  	_ =	swait.ge [sflag:s23], $0x1  }
0xa3: {  	[sflag:s23] =	ssyncset.done $0x0  }
0xa4: {  	s25 =	simm.s32 $0x1B8E;
	s24 =	sld [smem:$0x3FFE];
	[sflag:s23] =	ssyncadd.s32 $0xFFFFFFFF  }
0xa5: {  	s26 =	simm.s32 $execute0_lowered;
	[smem:$0x3FD2] =	sst s25  }
0xa6: {  	s4 =	sshll.u32 s26, $0x1;
	_ =	strace $0x8000004C;
	[dreg:$0x1] =	wrdreg $0xFFFFFFFF  }
0xa7: {  	s28 =	simm.s32 $_size_execute0_lowered;
	s2 =	sadd.s32 s2, s4;
	[dreg:$0x0] =	wrdreg $0x0  }
0xa8: {  	s4 =	sshll.u32 s28, $0x1;
	[dreg:$0x2] =	wrdreg s2  }
0xa9: {  	[dreg:$0x3] =	wrdreg s4  }
0xaa: {  	[dreg:$0x4] =	wrdreg $0xC0  }
0xab: {  	_ =	task [dreg:s6], $0x5FFFF  }
0xac: {  	[dreg:$0x1] =	wrdreg $0xFFFFFFFF  }
0xad: {  	[dreg:$0x0] =	wrdreg $0x60  }
0xae: {  	[dreg:$0x2] =	wrdreg s24  }
0xaf: {  	[dreg:$0x3] =	wrdreg $0x3C000  }
0xb0: {  	[dreg:$0x4] =	wrdreg $0x9  }
0xb1: {  	_ =	task.clear_ibuf [dreg:s6], $0x5FFFF;
	_ =	strace $0x9000004C  }
0xb2: {  	s29 =	simm.s32 $0x9;
	_ =	strace $0x8000004E  }
0xb3: {  	_ =	swait.ge [sflag:s29], $0x1  }
0xb4: {  	[sflag:s29] =	ssyncadd.s32 $0xFFFFFFFF  }
0xb5: {  	_ =	strace $0x9000004E  }
0xb6: {  	_ =	sfence  }
0xb7: {  	s30 =	sld [smem:$0x0];
	_ =	sdelay $0x2  }
0xb8: {  	s31 =	sshll.u32 s1, $0xD;
	s1 =	sshrl.u32 s1, $0x2  }
0xb9: {  	s3 =	sand.u32 $0x4000, s31;
	s1 =	sadd.s32 s1, s30  }
0xba: {  	s0 =	sor.u32 s3, s0;
	s1 =	sshll.u32 s1, $0x11  }
0xbb: {  	s0 =	sor.u32 s1, s0  }
0xbc: {  	s0 =	sadd.s32 $0x8F2B, s0  }
0xbd: {  	[sflag:s0] =	ssyncadd.remote.s32 $0x1  }
0xbe: {  	_ =	sfence.sel $0xFFFF  }
0xbf: {  	[dreg:$0x0] =	wrdreg $0xFFFFFFFF;
	(pc) =	sbr.abs _section_cstart, $3  }
0xc0: {  	[dreg:$0x1] =	wrdreg $0xFFFFFFFF  }
0xc1: {  	_ =	task.clear_ibuf [dreg:s6], $0x2FFFF;
	_ =	strace $0x9FFFFFFF  }
0xc2: {  	(tm) =	ssettm $0x7FFFFFFF  }
0xc3: {  	_ =	shalt  }
tec
execute0_lowered:
.L_overlay_start_1:
0x0: {  	(tag) =	ssettag $0x1  }
0x1: {  	s7 =	rddreg [dreg:$0x0]  }
0x2: {  	s1 =	rddreg [dreg:$0x1]  }
0x3: {  	s0 =	rddreg [dreg:$0x2];
	s2 =	simm.s32 $0x0;
	s6 =	srdreg.scid  }
0x4: {  	s3 =	stileid.u32;
	s15 =	simm.s32 $0xC00;
	s16 =	simm.s32 $0x32  }
0x5: {  	s17 =	simm.s32 $0x1800;
	s18 =	simm.s32 $0x1;
	s19 =	simm.s32 $0x2  }
0x6: {  	[smem:$0x7FF] =	sst s2;
	s4 =	sadd.s32 $0x8C800, s7;
	s5 =	sadd.s32 $0x6E800, s7  }
0x7: {  	s8 =	sand.u32 $0x1, s6;
	s6 =	sadd.s32 $0x2600, s7;
	s10 =	smul.u32 $0x4E000, s3  }
0x8: {  	s11 =	sadd.s32 $0xB3A00, s7;
	s29 =	smul.u32 $0x13800, s3;
	p0 =	seq.s32 s3, $0xF  }
0x9: {  	s7 =	simm.s32 $0x28;
	s20 =	sadd.s32 $0x138000, s1;
	_ =	strace $0x8000004D  }
0xa: {  	s9 =	ssub.s32 $0x2, s8;
	s12 =	smul.u32 $0x138800, s8;
	s28 =	sshll.u32 s8, $0x4  }
0xb: {  	s7 =	simm.s32 @!p0 $0x27;
	p0 =	sne.s32 s3, $0xF;
	s26 =	sshrl.u32 s9, $0x1  }
0xc: {  	s30 =	sor.u32 s3, s28;
	s10 =	sshrl.u32 s10, $0x2;
	s20 =	sshrl.u32 @!p0 s20, $0x3  }
0xd: {  	s13 =	ssub.s32 s9, s26;
	s14 =	sadd.s32 s29, s12;
	s8 =	sadd.s32 s10, s1  }
0xe: {  	s12 =	sshrl.u32 s12, $0x3;
	s9 =	smul.u32 $0xA, s30;
	s31 =	sshrl.u32 s14, $0x3  }
0xf: {  	s14 =	simm.s32 $0x3;
	s10 =	sadd.s32 s11, s31;
	s11 =	sadd.s32 s11, s12  }
0x10: {  	v0 =	vimm.f32 $0.0e+00;
	s12 =	smax.u32 s13, $0x1;
	s13 =	simm.s32 $0x3400;
	s11 =	sadd.s32 $0x27000, s11  }
.LBB2_1:
0x11: {  	s21 =	simm.s32 $0x0;
	s22 =	simm.s32 $0x200  }
.LBB2_2:
0x12: {  	p1 =	sne.s32 s22, $0x1E00;
	[tilespmem:s21+$0x3470] =	vst v0  }
0x13: {  	[tilespmem:s21+$0x3400] =	vst v0  }
0x14: {  	[tilespmem:s21+$0x3410] =	vst v0  }
.Ltmp0:
0x15: {  	[tilespmem:s21+$0x3420] =	vst v0;
	(pc) =	sbr.rel @p1 .LBB2_2-.Ltmp0, $4  }
0x16: {  	[tilespmem:s21+$0x3430] =	vst v0  }
0x17: {  	[tilespmem:s21+$0x3440] =	vst v0  }
0x18: {  	[tilespmem:s21+$0x3450] =	vst v0  }
0x19: {  	[tilespmem:s21+$0x3460] =	vst v0;
	s21 =	sshra.s32 s22, $0x2;
	s22 =	sadd.s32 $0x200, s22  }
0x1a: {  	[tilespmem:s21+$0x3470] =	vst v0  }
0x1b: {  	[tilespmem:s21+$0x3400] =	vst v0  }
0x1c: {  	[tilespmem:s21+$0x3410] =	vst v0  }
0x1d: {  	[tilespmem:s21+$0x3420] =	vst v0  }
0x1e: {  	[tilespmem:s21+$0x3430] =	vst v0  }
0x1f: {  	[tilespmem:s21+$0x3440] =	vst v0;
	p1 =	sne.s32 s7, $0x1  }
.Ltmp1:
0x20: {  	[tilespmem:s21+$0x3450] =	vst v0;
	(pc) =	sbr.rel @!p1 .LBB2_5-.Ltmp1, $4  }
0x21: {  	[tilespmem:s21+$0x3460] =	vst v0  }
0x22: {  	[spmem:s8] =	stream.linear.scatter [tilespmem:s13], [sflag:$0x3], $0x800, $0x38;
	[tilespmem:$0x17480] =	vst v63  }
0x23: {  	_ =	swait.ge [sflag:s14], $0x800  }
0x24: {  	s21 =	sadd.s32 $0xFFFFFFFF, s7;
	s22 =	smov.u32 s8;
	[sflag:s14] =	ssyncset.done $0x0  }
.LBB2_4:
0x25: {  	p1 =	sne.s32 s21, $0x1;
	[sflag:s14] =	ssyncadd.s32 $0xFFFFF800;
	s22 =	sadd.s32 $0x800, s22  }
.Ltmp2:
0x26: {  	s21 =	sadd.s32 $0xFFFFFFFF, s21;
	(pc) =	sbr.rel @p1 .LBB2_4-.Ltmp2, $4  }
0x27: {  	_ = 	snop  }
0x28: {  	[spmem:s22] =	stream.linear.scatter [tilespmem:s13], [sflag:$0x3], $0x800, $0x38;
	[tilespmem:$0x17480] =	vst v63  }
0x29: {  	_ =	swait.ge [sflag:s14], $0x800  }
0x2a: {  	[sflag:s14] =	ssyncset.done $0x0  }
.LBB2_5:
0x2b: {  	[sflag:s14] =	ssyncadd.s32 $0xFFFFF800  }
0x2c: {  	s21 =	simm.s32 $0x0;
	s22 =	simm.s32 $0x0;
	[bflag:$0x0] =	sbarrier.arrive $0xFFFF  }
.LBB2_6:
0x2d: {  	s23 =	sadd.s32 s9, s22  }
0x2e: {  	s23 =	smul.u32 $0x180, s23;
	_ =	sdelay $0x1  }
0x2f: {  	s24 =	sadd.s32 s5, s23  }
0x30: {  	[tilespmem:s21], [sflag:$0x3] =	stream.linear.gather [hbm4b:s24+s21], $0xA00, $0x38;
	[tilespmem:$0x17480] =	vst v63  }
0x31: {  	_ =	swait.ge [sflag:s14], $0xA00  }
0x32: {  	[sflag:s14] =	ssyncset.done $0x0  }
0x33: {  	s23 =	sadd.s32 s6, s23;
	[sflag:s14] =	ssyncadd.s32 $0xFFFFF600  }
0x34: {  	[tilespmem:s15], [sflag:$0x3] =	stream.linear.gather [hbm4b:s23+s21], $0xA00, $0x38;
	[tilespmem:$0x17480] =	vst v63  }
0x35: {  	_ =	swait.ge [sflag:s14], $0xA00  }
0x36: {  	[sflag:s14] =	ssyncset.done $0x0  }
0x37: {  	s30 =	simm.s32 $0x0;
	[sflag:s14] =	ssyncadd.s32 $0xFFFFF600  }
0x38: {  	[tilespmem:s17], [sflag:$0x1] =	stream.indirect.gather [hbm4b:s4+s16], $0x80, s30, s16, $0xb8;
	[tilespmem:$0x17480] =	vst v63  }
0x39: {  	_ =	swait.ge [sflag:s18], $0x1900  }
0x3a: {  	[sflag:s18] =	ssyncset.done $0x0  }
0x3b: {  	s31 =	simm.s32 $0xC00;
	[sflag:s18] =	ssyncadd.s32 $0xFFFFE700  }
0x3c: {  	[spmem:s1] =	stream.indirect.scatter.add.f32 [tilespmem:s17], [sflag:$0x2], $0x80, s31, s16, $0xb8;
	[tilespmem:$0x17480] =	vst v63  }
0x3d: {  	_ =	swait.ge [sflag:s19], $0x1900  }
0x3e: {  	s24 =	simm.s32 $0x400;
	s23 =	simm.s32 $0x200;
	[sflag:s19] =	ssyncset.done $0x0  }
.LBB2_7:
0x3f: {  	s25 =	sshra.s32 s23, $0x2  }
0x40: {  	[sflag:s19] =	ssyncadd.s32 $0xFFFFE700;
	s23 =	smov.u32 s24;
	s26 =	sadd.s32 $0x200, s24  }
0x41: {  	[tilespmem:s17], [sflag:$0x1] =	stream.indirect.gather [hbm4b:s4+s16], $0x80, s25, s16, $0xb8;
	[tilespmem:$0x17480] =	vst v63  }
0x42: {  	p1 =	sne.s32 s24, $0x2600;
	_ =	swait.ge [sflag:s18], $0x1900  }
.Ltmp3:
0x43: {  	[sflag:s18] =	ssyncset.done $0x0;
	(pc) =	sbr.rel @p1 .LBB2_7-.Ltmp3, $4  }
0x44: {  	s24 =	sadd.s32 $0xC00, s25;
	[sflag:s18] =	ssyncadd.s32 $0xFFFFE700  }
0x45: {  	[spmem:s1] =	stream.indirect.scatter.add.f32 [tilespmem:s17], [sflag:$0x2], $0x80, s24, s16, $0xb8;
	[tilespmem:$0x17480] =	vst v63  }
0x46: {  	_ =	swait.ge [sflag:s19], $0x1900  }
0x47: {  	s24 =	smov.u32 s26;
	[sflag:s19] =	ssyncset.done $0x0  }
0x48: {  	s23 =	sshra.s32 s23, $0x2;
	[sflag:s19] =	ssyncadd.s32 $0xFFFFE700  }
0x49: {  	[tilespmem:s17], [sflag:$0x1] =	stream.indirect.gather [hbm4b:s4+s16], $0x80, s23, s16, $0xb8;
	[tilespmem:$0x17480] =	vst v63  }
0x4a: {  	s22 =	sadd.s32 $0x1, s22;
	_ =	swait.ge [sflag:s18], $0x1900  }
0x4b: {  	p1 =	sne.s32 s22, $0xA;
	[sflag:s18] =	ssyncset.done $0x0  }
.Ltmp4:
0x4c: {  	s23 =	sadd.s32 $0xC00, s23;
	[sflag:s18] =	ssyncadd.s32 $0xFFFFE700;
	(pc) =	sbr.rel @p1 .LBB2_6-.Ltmp4, $4  }
0x4d: {  	[spmem:s1] =	stream.indirect.scatter.add.f32 [tilespmem:s17], [sflag:$0x2], $0x80, s23, s16, $0xb8;
	[tilespmem:$0x17480] =	vst v63  }
0x4e: {  	_ =	swait.ge [sflag:s19], $0x1900  }
0x4f: {  	[sflag:s19] =	ssyncset.done $0x0  }
0x50: {  	[sflag:s19] =	ssyncadd.s32 $0xFFFFE700  }
0x51: {  	s21 =	sshll.u32 s3, $0x6  }
0x52: {  	[bflag:$0x0] =	sbarrier.arrive $0xFFFF;
	s22 =	sshrl.u32 s8, $0x3;
	s21 =	sor.u32 $0x1C03, s21  }
0x53: {  	[hbm:s10], [sflag:s21] =	dma.local [spmem:s22], $0x2700  }
0x54: {  	_ =	swait.ge [sflag:s14], $0x2700  }
0x55: {  	s2 =	sadd.s32 $0x1, s2;
	[sflag:s14] =	ssyncset.done $0x0  }
0x56: {  	p1 =	sne.s32 s2, s12;
	[sflag:s14] =	ssyncadd.s32 $0xFFFFD900  }
0x57: {  	[hbm:s11], [sflag:s21] =	dma.local @!p0 [spmem:s20], $0x100  }
.Ltmp5:
0x58: {  	_ = 	snop;
	(pc) =	sbr.rel @p1 .LBB2_1-.Ltmp5, $4  }
0x59: {  	s21 =	simm.s32 @!p0 $0x3  }
0x5a: {  	_ =	swait.ge @!p0 [sflag:s21], $0x100  }
0x5b: {  	[sflag:s21] =	ssyncset.done @!p0 $0x0  }
0x5c: {  	[sflag:s21] =	ssyncadd.s32 @!p0 $0xFFFFFF00  }
0x5d: {  	_ =	sfence.sel $0x180000  }
0x5e: {  	[bflag:$0x0] =	sbarrier.arrive $0xFFFF  }
0x5f: {  	p0 =	sne.s32 s3, $0x0;
	_ =	strace $0x9000004D  }
0x60: {  	s0 =	sadd.s32 @!p0 $0x100000, s0;
	[bflag:$0x2] =	sbarrier.arrive $0xFFFF  }
0x61: {  	[sflag:s0] =	ssyncadd.tile.s32 @!p0 $0x1;
	_ =	shalt  }
.Lfunc_end2:
_tile_overlayer_lowered:
.L_overlay_start_2:
0x62: {  	(tag) =	ssettag $0x2  }
0x63: {  	s0 =	rddreg [dreg:$0x0];
	s2 =	stileid.u32  }
0x64: {  	s1 =	rddreg [dreg:$0x1];
	p0 =	sne.s32 s2, $0x0  }
0x65: {  	s3 =	rddreg [dreg:$0x2];
	[bflag:$0x3] =	sbarrier.arrive $0xFFFF;
	s2 =	simm.s32 @!p0 $0x1C03  }
0x66: {  	[timem:s3], [sflag:s2] =	dma.local @!p0 [hbm:s0], s1  }
0x67: {  	s0 =	simm.s32 @!p0 $0x3  }
0x68: {  	_ =	swait.ge @!p0 [sflag:s0], s1  }
0x69: {  	s1 =	ssub.s32 @!p0 $0x0, s1;
	[sflag:s0] =	ssyncset.done @!p0 $0x0  }
0x6a: {  	[sflag:s0] =	ssyncadd.s32 @!p0 s1  }
0x6b: {  	[bflag:$0x3] =	sbarrier.arrive $0xFFFF  }
0x6c: {  	_ =	shalt  }

// kernel: kernel.8.cloned.1.call-start
scs
__scs_entry_jumppad:
0x0: {  	(pc) =	sbr.rel $0x88, $3  }
0x1: {  	(tag) =	ssettag $0x0;
	lr =	simm.s32 $0x1  }
0x2: {  	[smem:$0x3F99] =	sst lr;
	_ =	strace $0xD0000000  }
0x3: {  	_ = 	snop  }
0x4: {  	_ = 	snop  }
0x5: {  	_ = 	snop  }
0x6: {  	_ = 	snop  }
0x7: {  	_ = 	snop  }
__scs_overlays_trampoline_lowered:
0x8: {  	[smem:$0x3FA8] =	sst s0  }
0x9: {  	[smem:$0x3FA9] =	sst s1  }
0xa: {  	[smem:$0x3FAA] =	sst s2  }
0xb: {  	[smem:$0x3FAB] =	sst s3  }
0xc: {  	[smem:$0x3FAC] =	sst s4  }
0xd: {  	[smem:$0x3FAD] =	sst s5  }
0xe: {  	[smem:$0x3FAE] =	sst s6  }
0xf: {  	[smem:$0x3FAF] =	sst s7  }
0x10: {  	[smem:$0x3FB0] =	sst s8  }
0x11: {  	[smem:$0x3FB1] =	sst s9;
	s0 =	simm.s32 @!p0 $0x0  }
0x12: {  	s1 =	sld [smem:$0x3F97];
	s0 =	simm.s32 @p0 $0x1  }
0x13: {  	[smem:$0x3FB2] =	sst s0;
	s0 =	simm.s32 @!p1 $0x0  }
0x14: {  	s2 =	sld [smem:$0x3F96];
	s0 =	simm.s32 @p1 $0x1  }
0x15: {  	[smem:$0x3FB3] =	sst s0;
	s0 =	simm.s32 @!p2 $0x0  }
0x16: {  	s3 =	sld [smem:$0x3FDB];
	s0 =	simm.s32 @p2 $0x1  }
0x17: {  	s4 =	simm.s32 $0x1BF5;
	[smem:$0x3FB5] =	sst s0  }
0x18: {  	s0 =	sld [smem:$0x3F98];
	_ =	swait.ge [sflag:s4], $0x0  }
0x19: {  	s7 =	sld [smem:$0x3F99]  }
0x1a: {  	s8 =	sadd.s32 $0xFFFFE003, lr  }
0x1b: {  	s9 =	sadd.s32 $0xFFFFFEF7, lr;
	s5 =	simm.s32 $0xFFFFFFFF;
	p2 =	slt.u32 s8, $0xFFFFF086  }
0x1c: {  	p1 =	slt.u32 s9, $0xF7A;
	s5 =	simm.s32 @!p2 $0x0  }
0x1d: {  	s5 =	simm.s32 @p1 $0x1;
	p0 =	seq.s32 s7, s2  }
0x1e: {  	s7 =	smul.u32 @!p0 $0xF7A, s2;
	p2 =	seq.s32 @!p0 s5, $0x0  }
0x1f: {  	s9 =	smul.u32 $0xF7A, s1;
	s8 =	simm.s32 @!p0 $0x1BF5;
	p2 =	por !p2, p0  }
0x20: {  	[sflag:s8] =	ssyncset.s32 @!p0 $0xFFFFF086;
	s6 =	sadd.s32 @!p0 s3, s7;
	s7 =	simm.s32 @!p0 $0x108  }
0x21: {  	s3 =	sadd.s32 s3, s9;
	s6 =	sadd.s32 @!p0 $0x88, s6;
	s7 =	simm.s32 @p2 $0x1082  }
0x22: {  	[simem:s7], [sflag:s8] =	dma.local @!p0 [hbm:s6], $0xF7A  }
0x23: {  	s9 =	sor.u32 $0xD0000000, s2;
	s6 =	simm.s32 $0x108;
	_ =	swait.ge @!p0 [sflag:s8], $0x0  }
0x24: {  	s3 =	sadd.s32 $0x88, s3;
	s6 =	simm.s32 @!p1 $0x1082;
	[sflag:s4] =	ssyncset.s32 $0xFFFFF086  }
0x25: {  	[simem:s6], [sflag:s4] =	dma.local [hbm:s3], $0xF7A  }
0x26: {  	[smem:$0x3F99] =	sst s1;
	(tag) =	ssettag s2;
	_ =	strace s9  }
0x27: {  	s1 =	sld [smem:$0x3FA9]  }
0x28: {  	s2 =	sld [smem:$0x3FAA]  }
0x29: {  	s4 =	sld [smem:$0x3FAC]  }
0x2a: {  	p0 =	seq.s32 s5, $0x0;
	s5 =	sld [smem:$0x3FAD]  }
0x2b: {  	s6 =	sld [smem:$0x3FAE]  }
0x2c: {  	s7 =	sld [smem:$0x3FAF]  }
0x2d: {  	s3 =	simm.s32 $0x108;
	s8 =	sld [smem:$0x3FB0]  }
0x2e: {  	s3 =	simm.s32 @!p0 $0x1082;
	s9 =	sld [smem:$0x3FB1]  }
0x2f: {  	lr =	sadd.s32 s0, s3;
	s0 =	sld [smem:$0x3FA8]  }
0x30: {  	s3 =	sld [smem:$0x3FAB]  }
0x31: {  	[smem:$0x3FB4] =	sst s10  }
0x32: {  	s10 =	sld [smem:$0x3FB2];
	_ =	sdelay $0x3  }
0x33: {  	p0 =	seq.s32 s10, $0x1;
	s10 =	sld [smem:$0x3FB4];
	_ =	sdelay $0x3  }
0x34: {  	[smem:$0x3FB4] =	sst s10  }
0x35: {  	s10 =	sld [smem:$0x3FB3];
	_ =	sdelay $0x3  }
0x36: {  	p1 =	seq.s32 s10, $0x1;
	s10 =	sld [smem:$0x3FB4];
	_ =	sdelay $0x3  }
0x37: {  	[smem:$0x3FB4] =	sst s10  }
0x38: {  	s10 =	sld [smem:$0x3FB5]  }
0x39: {  	_ = 	snop;
	(pc) =	sbr.ind lr, $3  }
0x3a: {  	_ = 	snop  }
0x3b: {  	_ = 	snop  }
0x3c: {  	p2 =	seq.s32 s10, $0x1;
	s10 =	sld [smem:$0x3FB4]  }
0x3d: {  	_ =	shalt  }
0x3e: {  	_ =	shalt  }
0x3f: {  	_ =	shalt  }
0x40: {  	_ =	shalt  }
0x41: {  	_ =	shalt  }
0x42: {  	_ =	shalt  }
0x43: {  	_ =	shalt  }
0x44: {  	_ =	shalt  }
0x45: {  	_ =	shalt  }
0x46: {  	_ =	shalt  }
0x47: {  	_ =	shalt  }
0x48: {  	_ =	shalt  }
0x49: {  	_ =	shalt  }
0x4a: {  	_ =	shalt  }
0x4b: {  	_ =	shalt  }
0x4c: {  	_ =	shalt  }
0x4d: {  	_ =	shalt  }
0x4e: {  	_ =	shalt  }
0x4f: {  	_ =	shalt  }
0x50: {  	_ =	shalt  }
0x51: {  	_ =	shalt  }
0x52: {  	_ =	shalt  }
0x53: {  	_ =	shalt  }
0x54: {  	_ =	shalt  }
0x55: {  	_ =	shalt  }
0x56: {  	_ =	shalt  }
0x57: {  	_ =	shalt  }
0x58: {  	_ =	shalt  }
0x59: {  	_ =	shalt  }
0x5a: {  	_ =	shalt  }
0x5b: {  	_ =	shalt  }
0x5c: {  	_ =	shalt  }
0x5d: {  	_ =	shalt  }
0x5e: {  	_ =	shalt  }
0x5f: {  	_ =	shalt  }
0x60: {  	_ =	shalt  }
0x61: {  	_ =	shalt  }
0x62: {  	_ =	shalt  }
0x63: {  	_ =	shalt  }
0x64: {  	_ =	shalt  }
0x65: {  	_ =	shalt  }
0x66: {  	_ =	shalt  }
0x67: {  	_ =	shalt  }
0x68: {  	_ =	shalt  }
0x69: {  	_ =	shalt  }
0x6a: {  	_ =	shalt  }
0x6b: {  	_ =	shalt  }
0x6c: {  	_ =	shalt  }
0x6d: {  	_ =	shalt  }
0x6e: {  	_ =	shalt  }
0x6f: {  	_ =	shalt  }
0x70: {  	_ =	shalt  }
0x71: {  	_ =	shalt  }
0x72: {  	_ =	shalt  }
0x73: {  	_ =	shalt  }
0x74: {  	_ =	shalt  }
0x75: {  	_ =	shalt  }
0x76: {  	_ =	shalt  }
0x77: {  	_ =	shalt  }
0x78: {  	_ =	shalt  }
0x79: {  	_ =	shalt  }
0x7a: {  	_ =	shalt  }
0x7b: {  	_ =	shalt  }
0x7c: {  	_ =	shalt  }
0x7d: {  	_ =	shalt  }
0x7e: {  	_ =	shalt  }
0x7f: {  	_ =	shalt  }
0x80: {  	_ =	shalt  }
0x81: {  	_ =	shalt  }
0x82: {  	_ =	shalt  }
0x83: {  	_ =	shalt  }
0x84: {  	_ =	shalt  }
0x85: {  	_ =	shalt  }
0x86: {  	_ =	shalt  }
0x87: {  	_ =	shalt  }
.Lfunc_end0:
.L_simem_size_0:
called_computation_lowered:
.L_overlay_start_0:
0x88: {  	s2 =	sld [smem:$0x3FD9]  }
0x89: {  	s3 =	sld [smem:$0x3FFE];
	_ =	sdelay $0x1  }
0x8a: {  	s1 =	srdreg.scid  }
0x8b: {  	s0 =	sand.u32 $0x1, s1  }
0x8c: {  	s16 =	sshll.u32 s0, $0xA;
	s2 =	sadd.s32 s3, s2  }
0x8d: {  	s2 =	sadd.s32 s2, s16  }
0x8e: {  	[smem:$0x3FC0] =	sst s2  }
0x8f: {  	_ = 	snop  }
0x90: {  	(tm) =	ssettm $0x1  }
0x91: {  	s17 =	sld [smem:$0x3FFB];
	_ =	sdelay $0x3  }
0x92: {  	_ =	strace s17  }
0x93: {  	s2 =	sld [smem:$0x3FFC];
	_ =	sdelay $0x3  }
0x94: {  	_ =	strace s2  }
0x95: {  	s2 =	sld [smem:$0x3FFD];
	_ =	sdelay $0x3  }
0x96: {  	_ =	strace s2  }
0x97: {  	_ =	strace $0x8FFFFFFF  }
0x98: {  	s18 =	sld [smem:$0x3FDB];
	_ =	sdelay $0x1  }
0x99: {  	s19 =	simm.s32 $_scs_section_size  }
0x9a: {  	s4 =	simm.s32 $_size__tile_overlayer_lowered;
	s5 =	simm.s32 $_tile_overlayer_lowered  }
0x9b: {  	s22 =	simm.s32 $0x1BFF;
	s21 =	sshll.u32 s5, $0x1;
	s2 =	sadd.s32 s19, s18  }
0x9c: {  	s6 =	simm.s32 $0x0;
	s20 =	sshll.u32 s4, $0x1;
	s4 =	sadd.s32 s21, s2  }
0x9d: {  	[timem:s6], [sflag:s22] =	dma.local [hbm:s4], s20  }
0x9e: {  	_ =	swait.ge [sflag:s22], s20  }
0x9f: {  	s3 =	ssub.s32 $0x0, s20;
	[sflag:s22] =	ssyncset.done $0x0  }
0xa0: {  	[sflag:s22] =	ssyncadd.s32 s3;
	_ =	sdelay $0x1  }
0xa1: {  	s23 =	simm.s32 $0x1B8B  }
0xa2: {  	_ =	swait.ge [sflag:s23], $0x1  }
0xa3: {  	[sflag:s23] =	ssyncset.done $0x0  }
0xa4: {  	s25 =	simm.s32 $0x1B8E;
	s24 =	sld [smem:$0x3FFE];
	[sflag:s23] =	ssyncadd.s32 $0xFFFFFFFF  }
0xa5: {  	s26 =	simm.s32 $execute0_lowered;
	[smem:$0x3FD2] =	sst s25  }
0xa6: {  	s4 =	sshll.u32 s26, $0x1;
	_ =	strace $0x80000046;
	[dreg:$0x1] =	wrdreg $0xFFFFFFFF  }
0xa7: {  	s28 =	simm.s32 $_size_execute0_lowered;
	s2 =	sadd.s32 s2, s4;
	[dreg:$0x0] =	wrdreg $0x0  }
0xa8: {  	s4 =	sshll.u32 s28, $0x1;
	[dreg:$0x2] =	wrdreg s2  }
0xa9: {  	[dreg:$0x3] =	wrdreg s4  }
0xaa: {  	[dreg:$0x4] =	wrdreg $0xC0  }
0xab: {  	_ =	task [dreg:s6], $0x5FFFF  }
0xac: {  	[dreg:$0x1] =	wrdreg $0xFFFFFFFF  }
0xad: {  	[dreg:$0x0] =	wrdreg $0x60  }
0xae: {  	[dreg:$0x2] =	wrdreg s24  }
0xaf: {  	[dreg:$0x3] =	wrdreg $0x30000  }
0xb0: {  	[dreg:$0x4] =	wrdreg $0x9  }
0xb1: {  	_ =	task.clear_ibuf [dreg:s6], $0x5FFFF;
	_ =	strace $0x90000046  }
0xb2: {  	s29 =	simm.s32 $0x9;
	_ =	strace $0x80000048  }
0xb3: {  	_ =	swait.ge [sflag:s29], $0x1  }
0xb4: {  	[sflag:s29] =	ssyncadd.s32 $0xFFFFFFFF  }
0xb5: {  	_ =	strace $0x90000048  }
0xb6: {  	_ =	sfence  }
0xb7: {  	s30 =	sld [smem:$0x0];
	_ =	sdelay $0x2  }
0xb8: {  	s31 =	sshll.u32 s1, $0xD;
	s1 =	sshrl.u32 s1, $0x2  }
0xb9: {  	s3 =	sand.u32 $0x4000, s31;
	s1 =	sadd.s32 s1, s30  }
0xba: {  	s0 =	sor.u32 s3, s0;
	s1 =	sshll.u32 s1, $0x11  }
0xbb: {  	s0 =	sor.u32 s1, s0  }
0xbc: {  	s0 =	sadd.s32 $0x8F2B, s0  }
0xbd: {  	[sflag:s0] =	ssyncadd.remote.s32 $0x1  }
0xbe: {  	_ =	sfence.sel $0xFFFF  }
0xbf: {  	[dreg:$0x0] =	wrdreg $0xFFFFFFFF;
	(pc) =	sbr.abs _section_cstart, $3  }
0xc0: {  	[dreg:$0x1] =	wrdreg $0xFFFFFFFF  }
0xc1: {  	_ =	task.clear_ibuf [dreg:s6], $0x2FFFF;
	_ =	strace $0x9FFFFFFF  }
0xc2: {  	(tm) =	ssettm $0x7FFFFFFF  }
0xc3: {  	_ =	shalt  }
tec
execute0_lowered:
.L_overlay_start_1:
0x0: {  	(tag) =	ssettag $0x1  }
0x1: {  	s0 =	rddreg [dreg:$0x0]  }
0x2: {  	s1 =	rddreg [dreg:$0x1];
	s3 =	srdreg.scid  }
0x3: {  	s2 =	simm.s32 $0x0;
	s24 =	stileid.u32;
	s9 =	simm.s32 $0x28  }
0x4: {  	s10 =	simm.s32 $0x2800;
	s11 =	simm.s32 $0x2;
	s12 =	simm.s32 $0x32  }
0x5: {  	s13 =	simm.s32 $0xC00;
	s14 =	simm.s32 $0x1;
	s15 =	simm.s32 $0x80  }
0x6: {  	s16 =	simm.s32 $0x100;
	s17 =	simm.s32 $0x180;
	s18 =	simm.s32 $0x200  }
0x7: {  	s28 =	simm.s32 $0x600;
	s29 =	simm.s32 $0x680;
	s6 =	smul.u32 $0x4E000, s24  }
0x8: {  	s30 =	simm.s32 $0x700;
	s31 =	simm.s32 $0x780;
	s8 =	smul.u32 $0x13800, s24  }
0x9: {  	s3 =	sand.u32 $0x1, s3;
	[smem:$0x7FF] =	sst s2;
	s20 =	smul.u32 $0xF00, s24  }
0xa: {  	p0 =	seq.s32 s24, $0xF;
	s4 =	smul.u32 $0xF000, s3;
	_ =	strace $0x80000047  }
0xb: {  	s5 =	ssub.s32 $0x2, s3;
	s3 =	smul.u32 $0x138800, s3;
	s9 =	simm.s32 @!p0 $0x27  }
0xc: {  	p0 =	sne.s32 s24, $0xF;
	s24 =	simm.s32 $0x500;
	s7 =	sshrl.u32 s5, $0x1  }
0xd: {  	[dreg:$0x3] =	wrdreg s9;
	s6 =	sshrl.u32 s6, $0x2;
	s4 =	sadd.s32 s4, s0  }
0xe: {  	s0 =	sadd.s32 $0x20600, s0;
	s5 =	ssub.s32 s5, s7;
	s19 =	sadd.s32 s8, s3  }
0xf: {  	s3 =	sshrl.u32 s3, $0x3;
	s25 =	sadd.s32 s6, s1;
	s6 =	simm.s32 $0x900  }
0x10: {  	s7 =	simm.s32 $0x980;
	s8 =	simm.s32 $0x0;
	s21 =	sshrl.u32 s19, $0x3  }
0x11: {  	s3 =	sadd.s32 s0, s3;
	s23 =	sadd.s32 s20, s4;
	s26 =	smax.u32 s5, $0x1  }
0x12: {  	s19 =	simm.s32 $0x280;
	s20 =	simm.s32 $0x300;
	[dreg:$0x4] =	wrdreg s25  }
0x13: {  	s0 =	sadd.s32 s0, s21;
	s22 =	sadd.s32 $0x27000, s3;
	s3 =	sadd.s32 $0x138000, s1  }
0x14: {  	[dreg:$0x7] =	wrdreg s26;
	s9 =	sadd.s32 $0x2600, s23;
	s21 =	simm.s32 $0x380  }
0x15: {  	s23 =	simm.s32 $0x480;
	s26 =	simm.s32 $0x580;
	[dreg:$0x5] =	wrdreg s0  }
0x16: {  	[dreg:$0x6] =	wrdreg s22;
	s22 =	simm.s32 $0x400;
	s0 =	sshrl.u32 @!p0 s3, $0x3  }
0x17: {  	v0 =	vimm.f32 $1.000000000e+00;
	v1 =	vimm.f32 $0.0e+00;
	s3 =	simm.s32 $0x880;
	[dreg:$0x8] =	wrdreg s0;
	s0 =	simm.s32 $0x800  }
.LBB2_1:
0x18: {  	s4 =	simm.s32 $0x200;
	s5 =	simm.s32 $0x0  }
.LBB2_2:
0x19: {  	p1 =	sne.s32 s4, $0x6200;
	[tilespmem:s5+$0xC00] =	vst v0;
	s5 =	smov.u32 s4;
	s4 =	sadd.s32 $0x200, s4  }
.Ltmp0:
0x1a: {  	(pc) =	sbr.rel @p1 .LBB2_2-.Ltmp0, $2  }
0x1b: {  	_ =	sdelay $0x2  }
0x1c: {  	s5 =	sshra.s32 s5, $0x2  }
0x1d: {  	[tilespmem:s5+$0xC00] =	vst v0  }
0x1e: {  	[tilespmem:$0x2800] =	vst v1  }
0x1f: {  	[tilespmem:$0x2880] =	vst v1  }
0x20: {  	[tilespmem:$0x2900] =	vst v1  }
0x21: {  	[tilespmem:$0x2980] =	vst v1  }
0x22: {  	[tilespmem:$0x2A00] =	vst v1  }
0x23: {  	[tilespmem:$0x2A80] =	vst v1  }
0x24: {  	[tilespmem:$0x2B00] =	vst v1  }
0x25: {  	[tilespmem:$0x2B80] =	vst v1  }
0x26: {  	[tilespmem:$0x2C00] =	vst v1  }
0x27: {  	[tilespmem:$0x2C80] =	vst v1  }
0x28: {  	[tilespmem:$0x2D00] =	vst v1  }
0x29: {  	[tilespmem:$0x2D80] =	vst v1  }
0x2a: {  	s4 =	rddreg [dreg:$0x3];
	[tilespmem:$0x2E00] =	vst v1  }
0x2b: {  	[tilespmem:$0x2E80] =	vst v1;
	p1 =	sne.s32 s4, $0x1  }
.Ltmp1:
0x2c: {  	[tilespmem:$0x2F00] =	vst v1;
	(pc) =	sbr.rel @!p1 .LBB2_5-.Ltmp1, $4  }
0x2d: {  	[tilespmem:$0x2F80] =	vst v1  }
0x2e: {  	[spmem:s25] =	stream.linear.scatter [tilespmem:s10], [sflag:$0x2], $0x800, $0x38;
	[tilespmem:$0x5710] =	vst v63  }
0x2f: {  	_ =	swait.ge [sflag:s11], $0x800  }
0x30: {  	s4 =	sadd.s32 $0xFFFFFFFF, s4;
	[sflag:s11] =	ssyncset.done $0x0  }
.LBB2_4:
0x31: {  	p1 =	sne.s32 s4, $0x1;
	[sflag:s11] =	ssyncadd.s32 $0xFFFFF800;
	s25 =	sadd.s32 $0x800, s25  }
.Ltmp2:
0x32: {  	s4 =	sadd.s32 $0xFFFFFFFF, s4;
	(pc) =	sbr.rel @p1 .LBB2_4-.Ltmp2, $4  }
0x33: {  	_ = 	snop  }
0x34: {  	[spmem:s25] =	stream.linear.scatter [tilespmem:s10], [sflag:$0x2], $0x800, $0x38;
	[tilespmem:$0x5710] =	vst v63  }
0x35: {  	_ =	swait.ge [sflag:s11], $0x800  }
0x36: {  	[sflag:s11] =	ssyncset.done $0x0  }
.LBB2_5:
0x37: {  	[dreg:$0x9] =	wrdreg s8;
	[sflag:s11] =	ssyncadd.s32 $0xFFFFF800  }
0x38: {  	s4 =	sadd.s32 $0x0, s9;
	[bflag:$0x0] =	sbarrier.arrive $0xFFFF  }
0x39: {  	[tilespmem:s2], [sflag:$0x2] =	stream.linear.gather [hbm4b:s4+s2], $0xA00, $0x38;
	[tilespmem:$0x5710] =	vst v63  }
0x3a: {  	_ =	swait.ge [sflag:s11], $0xA00  }
0x3b: {  	[sflag:s11] =	ssyncset.done $0x0  }
0x3c: {  	[sflag:s11] =	ssyncadd.s32 $0xFFFFF600  }
0x3d: {  	[spmem:s1] =	stream.indirect.scatter.add.f32 [tilespmem:s13], [sflag:$0x1], $0x10, s2, s12, $0xb8;
	[tilespmem:$0x5710] =	vst v63  }
0x3e: {  	_ =	swait.ge [sflag:s14], $0x320  }
0x3f: {  	[sflag:s14] =	ssyncset.done $0x0  }
0x40: {  	[sflag:s14] =	ssyncadd.s32 $0xFFFFFCE0  }
0x41: {  	[spmem:s1] =	stream.indirect.scatter.add.f32 [tilespmem:s13], [sflag:$0x1], $0x10, s15, s12, $0xb8;
	[tilespmem:$0x5710] =	vst v63  }
0x42: {  	_ =	swait.ge [sflag:s14], $0x320  }
0x43: {  	[sflag:s14] =	ssyncset.done $0x0  }
0x44: {  	[sflag:s14] =	ssyncadd.s32 $0xFFFFFCE0  }
0x45: {  	[spmem:s1] =	stream.indirect.scatter.add.f32 [tilespmem:s13], [sflag:$0x1], $0x10, s16, s12, $0xb8;
	[tilespmem:$0x5710] =	vst v63  }
0x46: {  	_ =	swait.ge [sflag:s14], $0x320  }
0x47: {  	[sflag:s14] =	ssyncset.done $0x0  }
0x48: {  	[sflag:s14] =	ssyncadd.s32 $0xFFFFFCE0  }
0x49: {  	[spmem:s1] =	stream.indirect.scatter.add.f32 [tilespmem:s13], [sflag:$0x1], $0x10, s17, s12, $0xb8;
	[tilespmem:$0x5710] =	vst v63  }
0x4a: {  	_ =	swait.ge [sflag:s14], $0x320  }
0x4b: {  	[sflag:s14] =	ssyncset.done $0x0  }
0x4c: {  	[sflag:s14] =	ssyncadd.s32 $0xFFFFFCE0  }
0x4d: {  	[spmem:s1] =	stream.indirect.scatter.add.f32 [tilespmem:s13], [sflag:$0x1], $0x10, s18, s12, $0xb8;
	[tilespmem:$0x5710] =	vst v63  }
0x4e: {  	_ =	swait.ge [sflag:s14], $0x320  }
0x4f: {  	[sflag:s14] =	ssyncset.done $0x0  }
0x50: {  	[sflag:s14] =	ssyncadd.s32 $0xFFFFFCE0  }
0x51: {  	[spmem:s1] =	stream.indirect.scatter.add.f32 [tilespmem:s13], [sflag:$0x1], $0x10, s19, s12, $0xb8;
	[tilespmem:$0x5710] =	vst v63  }
0x52: {  	_ =	swait.ge [sflag:s14], $0x320  }
0x53: {  	[sflag:s14] =	ssyncset.done $0x0  }
0x54: {  	[sflag:s14] =	ssyncadd.s32 $0xFFFFFCE0  }
0x55: {  	[spmem:s1] =	stream.indirect.scatter.add.f32 [tilespmem:s13], [sflag:$0x1], $0x10, s20, s12, $0xb8;
	[tilespmem:$0x5710] =	vst v63  }
0x56: {  	_ =	swait.ge [sflag:s14], $0x320  }
0x57: {  	[sflag:s14] =	ssyncset.done $0x0  }
0x58: {  	[sflag:s14] =	ssyncadd.s32 $0xFFFFFCE0  }
0x59: {  	[spmem:s1] =	stream.indirect.scatter.add.f32 [tilespmem:s13], [sflag:$0x1], $0x10, s21, s12, $0xb8;
	[tilespmem:$0x5710] =	vst v63  }
0x5a: {  	_ =	swait.ge [sflag:s14], $0x320  }
0x5b: {  	[sflag:s14] =	ssyncset.done $0x0  }
0x5c: {  	[sflag:s14] =	ssyncadd.s32 $0xFFFFFCE0  }
0x5d: {  	[spmem:s1] =	stream.indirect.scatter.add.f32 [tilespmem:s13], [sflag:$0x1], $0x10, s22, s12, $0xb8;
	[tilespmem:$0x5710] =	vst v63  }
0x5e: {  	_ =	swait.ge [sflag:s14], $0x320  }
0x5f: {  	[sflag:s14] =	ssyncset.done $0x0  }
0x60: {  	[sflag:s14] =	ssyncadd.s32 $0xFFFFFCE0  }
0x61: {  	[spmem:s1] =	stream.indirect.scatter.add.f32 [tilespmem:s13], [sflag:$0x1], $0x10, s23, s12, $0xb8;
	[tilespmem:$0x5710] =	vst v63  }
0x62: {  	_ =	swait.ge [sflag:s14], $0x320  }
0x63: {  	[sflag:s14] =	ssyncset.done $0x0  }
0x64: {  	[sflag:s14] =	ssyncadd.s32 $0xFFFFFCE0  }
0x65: {  	[spmem:s1] =	stream.indirect.scatter.add.f32 [tilespmem:s13], [sflag:$0x1], $0x10, s24, s12, $0xb8;
	[tilespmem:$0x5710] =	vst v63  }
0x66: {  	_ =	swait.ge [sflag:s14], $0x320  }
0x67: {  	[sflag:s14] =	ssyncset.done $0x0  }
0x68: {  	[sflag:s14] =	ssyncadd.s32 $0xFFFFFCE0  }
0x69: {  	[spmem:s1] =	stream.indirect.scatter.add.f32 [tilespmem:s13], [sflag:$0x1], $0x10, s26, s12, $0xb8;
	[tilespmem:$0x5710] =	vst v63  }
0x6a: {  	_ =	swait.ge [sflag:s14], $0x320  }
0x6b: {  	[sflag:s14] =	ssyncset.done $0x0  }
0x6c: {  	[sflag:s14] =	ssyncadd.s32 $0xFFFFFCE0  }
0x6d: {  	[spmem:s1] =	stream.indirect.scatter.add.f32 [tilespmem:s13], [sflag:$0x1], $0x10, s28, s12, $0xb8;
	[tilespmem:$0x5710] =	vst v63  }
0x6e: {  	_ =	swait.ge [sflag:s14], $0x320  }
0x6f: {  	[sflag:s14] =	ssyncset.done $0x0  }
0x70: {  	[sflag:s14] =	ssyncadd.s32 $0xFFFFFCE0  }
0x71: {  	[spmem:s1] =	stream.indirect.scatter.add.f32 [tilespmem:s13], [sflag:$0x1], $0x10, s29, s12, $0xb8;
	[tilespmem:$0x5710] =	vst v63  }
0x72: {  	_ =	swait.ge [sflag:s14], $0x320  }
0x73: {  	[sflag:s14] =	ssyncset.done $0x0  }
0x74: {  	[sflag:s14] =	ssyncadd.s32 $0xFFFFFCE0  }
0x75: {  	[spmem:s1] =	stream.indirect.scatter.add.f32 [tilespmem:s13], [sflag:$0x1], $0x10, s30, s12, $0xb8;
	[tilespmem:$0x5710] =	vst v63  }
0x76: {  	_ =	swait.ge [sflag:s14], $0x320  }
0x77: {  	[sflag:s14] =	ssyncset.done $0x0  }
0x78: {  	[sflag:s14] =	ssyncadd.s32 $0xFFFFFCE0  }
0x79: {  	[spmem:s1] =	stream.indirect.scatter.add.f32 [tilespmem:s13], [sflag:$0x1], $0x10, s31, s12, $0xb8;
	[tilespmem:$0x5710] =	vst v63  }
0x7a: {  	_ =	swait.ge [sflag:s14], $0x320  }
0x7b: {  	[sflag:s14] =	ssyncset.done $0x0  }
0x7c: {  	[sflag:s14] =	ssyncadd.s32 $0xFFFFFCE0  }
0x7d: {  	[spmem:s1] =	stream.indirect.scatter.add.f32 [tilespmem:s13], [sflag:$0x1], $0x10, s0, s12, $0xb8;
	[tilespmem:$0x5710] =	vst v63  }
0x7e: {  	_ =	swait.ge [sflag:s14], $0x320  }
0x7f: {  	[sflag:s14] =	ssyncset.done $0x0  }
0x80: {  	[sflag:s14] =	ssyncadd.s32 $0xFFFFFCE0  }
0x81: {  	[spmem:s1] =	stream.indirect.scatter.add.f32 [tilespmem:s13], [sflag:$0x1], $0x10, s3, s12, $0xb8;
	[tilespmem:$0x5710] =	vst v63  }
0x82: {  	_ =	swait.ge [sflag:s14], $0x320  }
0x83: {  	[sflag:s14] =	ssyncset.done $0x0  }
0x84: {  	[sflag:s14] =	ssyncadd.s32 $0xFFFFFCE0  }
0x85: {  	[spmem:s1] =	stream.indirect.scatter.add.f32 [tilespmem:s13], [sflag:$0x1], $0x10, s6, s12, $0xb8;
	[tilespmem:$0x5710] =	vst v63  }
0x86: {  	_ =	swait.ge [sflag:s14], $0x320  }
0x87: {  	[sflag:s14] =	ssyncset.done $0x0  }
0x88: {  	[sflag:s14] =	ssyncadd.s32 $0xFFFFFCE0  }
0x89: {  	[spmem:s1] =	stream.indirect.scatter.add.f32 [tilespmem:s13], [sflag:$0x1], $0x10, s7, s12, $0xb8;
	[tilespmem:$0x5710] =	vst v63  }
0x8a: {  	_ =	swait.ge [sflag:s14], $0x320  }
0x8b: {  	s25 =	simm.s32 $0x180;
	s4 =	simm.s32 $0x300;
	[sflag:s14] =	ssyncset.done $0x0  }
.LBB2_6:
0x8c: {  	s8 =	sadd.s32 s25, s9  }
0x8d: {  	[sflag:s14] =	ssyncadd.s32 $0xFFFFFCE0;
	s25 =	smov.u32 s4;
	s5 =	sadd.s32 $0x180, s4  }
0x8e: {  	[tilespmem:s2], [sflag:$0x2] =	stream.linear.gather [hbm4b:s8+s2], $0xA00, $0x38;
	[tilespmem:$0x5710] =	vst v63  }
0x8f: {  	p1 =	sne.s32 s4, $0xD80;
	_ =	swait.ge [sflag:s11], $0xA00  }
0x90: {  	[sflag:s11] =	ssyncset.done $0x0  }
0x91: {  	[sflag:s11] =	ssyncadd.s32 $0xFFFFF600  }
0x92: {  	[spmem:s1] =	stream.indirect.scatter.add.f32 [tilespmem:s13], [sflag:$0x1], $0x10, s2, s12, $0xb8;
	[tilespmem:$0x5710] =	vst v63  }
0x93: {  	_ =	swait.ge [sflag:s14], $0x320  }
0x94: {  	[sflag:s14] =	ssyncset.done $0x0  }
0x95: {  	[sflag:s14] =	ssyncadd.s32 $0xFFFFFCE0  }
0x96: {  	[spmem:s1] =	stream.indirect.scatter.add.f32 [tilespmem:s13], [sflag:$0x1], $0x10, s15, s12, $0xb8;
	[tilespmem:$0x5710] =	vst v63  }
0x97: {  	_ =	swait.ge [sflag:s14], $0x320  }
0x98: {  	[sflag:s14] =	ssyncset.done $0x0  }
0x99: {  	[sflag:s14] =	ssyncadd.s32 $0xFFFFFCE0  }
0x9a: {  	[spmem:s1] =	stream.indirect.scatter.add.f32 [tilespmem:s13], [sflag:$0x1], $0x10, s16, s12, $0xb8;
	[tilespmem:$0x5710] =	vst v63  }
0x9b: {  	_ =	swait.ge [sflag:s14], $0x320  }
0x9c: {  	[sflag:s14] =	ssyncset.done $0x0  }
0x9d: {  	[sflag:s14] =	ssyncadd.s32 $0xFFFFFCE0  }
0x9e: {  	[spmem:s1] =	stream.indirect.scatter.add.f32 [tilespmem:s13], [sflag:$0x1], $0x10, s17, s12, $0xb8;
	[tilespmem:$0x5710] =	vst v63  }
0x9f: {  	_ =	swait.ge [sflag:s14], $0x320  }
0xa0: {  	[sflag:s14] =	ssyncset.done $0x0  }
0xa1: {  	[sflag:s14] =	ssyncadd.s32 $0xFFFFFCE0  }
0xa2: {  	[spmem:s1] =	stream.indirect.scatter.add.f32 [tilespmem:s13], [sflag:$0x1], $0x10, s18, s12, $0xb8;
	[tilespmem:$0x5710] =	vst v63  }
0xa3: {  	_ =	swait.ge [sflag:s14], $0x320  }
0xa4: {  	[sflag:s14] =	ssyncset.done $0x0  }
0xa5: {  	[sflag:s14] =	ssyncadd.s32 $0xFFFFFCE0  }
0xa6: {  	[spmem:s1] =	stream.indirect.scatter.add.f32 [tilespmem:s13], [sflag:$0x1], $0x10, s19, s12, $0xb8;
	[tilespmem:$0x5710] =	vst v63  }
0xa7: {  	_ =	swait.ge [sflag:s14], $0x320  }
0xa8: {  	[sflag:s14] =	ssyncset.done $0x0  }
0xa9: {  	[sflag:s14] =	ssyncadd.s32 $0xFFFFFCE0  }
0xaa: {  	[spmem:s1] =	stream.indirect.scatter.add.f32 [tilespmem:s13], [sflag:$0x1], $0x10, s20, s12, $0xb8;
	[tilespmem:$0x5710] =	vst v63  }
0xab: {  	_ =	swait.ge [sflag:s14], $0x320  }
0xac: {  	[sflag:s14] =	ssyncset.done $0x0  }
0xad: {  	[sflag:s14] =	ssyncadd.s32 $0xFFFFFCE0  }
0xae: {  	[spmem:s1] =	stream.indirect.scatter.add.f32 [tilespmem:s13], [sflag:$0x1], $0x10, s21, s12, $0xb8;
	[tilespmem:$0x5710] =	vst v63  }
0xaf: {  	_ =	swait.ge [sflag:s14], $0x320  }
0xb0: {  	[sflag:s14] =	ssyncset.done $0x0  }
0xb1: {  	[sflag:s14] =	ssyncadd.s32 $0xFFFFFCE0  }
0xb2: {  	[spmem:s1] =	stream.indirect.scatter.add.f32 [tilespmem:s13], [sflag:$0x1], $0x10, s22, s12, $0xb8;
	[tilespmem:$0x5710] =	vst v63  }
0xb3: {  	_ =	swait.ge [sflag:s14], $0x320  }
0xb4: {  	[sflag:s14] =	ssyncset.done $0x0  }
0xb5: {  	[sflag:s14] =	ssyncadd.s32 $0xFFFFFCE0  }
0xb6: {  	[spmem:s1] =	stream.indirect.scatter.add.f32 [tilespmem:s13], [sflag:$0x1], $0x10, s23, s12, $0xb8;
	[tilespmem:$0x5710] =	vst v63  }
0xb7: {  	_ =	swait.ge [sflag:s14], $0x320  }
0xb8: {  	[sflag:s14] =	ssyncset.done $0x0  }
0xb9: {  	[sflag:s14] =	ssyncadd.s32 $0xFFFFFCE0  }
0xba: {  	[spmem:s1] =	stream.indirect.scatter.add.f32 [tilespmem:s13], [sflag:$0x1], $0x10, s24, s12, $0xb8;
	[tilespmem:$0x5710] =	vst v63  }
0xbb: {  	_ =	swait.ge [sflag:s14], $0x320  }
0xbc: {  	[sflag:s14] =	ssyncset.done $0x0  }
0xbd: {  	[sflag:s14] =	ssyncadd.s32 $0xFFFFFCE0  }
0xbe: {  	[spmem:s1] =	stream.indirect.scatter.add.f32 [tilespmem:s13], [sflag:$0x1], $0x10, s26, s12, $0xb8;
	[tilespmem:$0x5710] =	vst v63  }
0xbf: {  	_ =	swait.ge [sflag:s14], $0x320  }
0xc0: {  	[sflag:s14] =	ssyncset.done $0x0  }
0xc1: {  	[sflag:s14] =	ssyncadd.s32 $0xFFFFFCE0  }
0xc2: {  	[spmem:s1] =	stream.indirect.scatter.add.f32 [tilespmem:s13], [sflag:$0x1], $0x10, s28, s12, $0xb8;
	[tilespmem:$0x5710] =	vst v63  }
0xc3: {  	_ =	swait.ge [sflag:s14], $0x320  }
0xc4: {  	[sflag:s14] =	ssyncset.done $0x0  }
0xc5: {  	[sflag:s14] =	ssyncadd.s32 $0xFFFFFCE0  }
0xc6: {  	[spmem:s1] =	stream.indirect.scatter.add.f32 [tilespmem:s13], [sflag:$0x1], $0x10, s29, s12, $0xb8;
	[tilespmem:$0x5710] =	vst v63  }
0xc7: {  	_ =	swait.ge [sflag:s14], $0x320  }
0xc8: {  	[sflag:s14] =	ssyncset.done $0x0  }
0xc9: {  	[sflag:s14] =	ssyncadd.s32 $0xFFFFFCE0  }
0xca: {  	[spmem:s1] =	stream.indirect.scatter.add.f32 [tilespmem:s13], [sflag:$0x1], $0x10, s30, s12, $0xb8;
	[tilespmem:$0x5710] =	vst v63  }
0xcb: {  	_ =	swait.ge [sflag:s14], $0x320  }
0xcc: {  	[sflag:s14] =	ssyncset.done $0x0  }
0xcd: {  	[sflag:s14] =	ssyncadd.s32 $0xFFFFFCE0  }
0xce: {  	[spmem:s1] =	stream.indirect.scatter.add.f32 [tilespmem:s13], [sflag:$0x1], $0x10, s31, s12, $0xb8;
	[tilespmem:$0x5710] =	vst v63  }
0xcf: {  	_ =	swait.ge [sflag:s14], $0x320  }
0xd0: {  	[sflag:s14] =	ssyncset.done $0x0  }
0xd1: {  	[sflag:s14] =	ssyncadd.s32 $0xFFFFFCE0  }
0xd2: {  	[spmem:s1] =	stream.indirect.scatter.add.f32 [tilespmem:s13], [sflag:$0x1], $0x10, s0, s12, $0xb8;
	[tilespmem:$0x5710] =	vst v63  }
0xd3: {  	_ =	swait.ge [sflag:s14], $0x320  }
0xd4: {  	[sflag:s14] =	ssyncset.done $0x0  }
0xd5: {  	[sflag:s14] =	ssyncadd.s32 $0xFFFFFCE0  }
0xd6: {  	[spmem:s1] =	stream.indirect.scatter.add.f32 [tilespmem:s13], [sflag:$0x1], $0x10, s3, s12, $0xb8;
	[tilespmem:$0x5710] =	vst v63  }
0xd7: {  	_ =	swait.ge [sflag:s14], $0x320  }
0xd8: {  	[sflag:s14] =	ssyncset.done $0x0  }
0xd9: {  	[sflag:s14] =	ssyncadd.s32 $0xFFFFFCE0  }
0xda: {  	[spmem:s1] =	stream.indirect.scatter.add.f32 [tilespmem:s13], [sflag:$0x1], $0x10, s6, s12, $0xb8;
	[tilespmem:$0x5710] =	vst v63  }
0xdb: {  	_ =	swait.ge [sflag:s14], $0x320  }
.Ltmp3:
0xdc: {  	[sflag:s14] =	ssyncset.done $0x0;
	(pc) =	sbr.rel @p1 .LBB2_6-.Ltmp3, $4  }
0xdd: {  	[sflag:s14] =	ssyncadd.s32 $0xFFFFFCE0  }
0xde: {  	[spmem:s1] =	stream.indirect.scatter.add.f32 [tilespmem:s13], [sflag:$0x1], $0x10, s7, s12, $0xb8;
	[tilespmem:$0x5710] =	vst v63  }
0xdf: {  	_ =	swait.ge [sflag:s14], $0x320  }
0xe0: {  	s4 =	smov.u32 s5;
	[sflag:s14] =	ssyncset.done $0x0  }
0xe1: {  	s4 =	sadd.s32 s25, s9;
	[sflag:s14] =	ssyncadd.s32 $0xFFFFFCE0  }
0xe2: {  	[tilespmem:s2], [sflag:$0x2] =	stream.linear.gather [hbm4b:s4+s2], $0xA00, $0x38;
	[tilespmem:$0x5710] =	vst v63  }
0xe3: {  	_ =	swait.ge [sflag:s11], $0xA00  }
0xe4: {  	[sflag:s11] =	ssyncset.done $0x0  }
0xe5: {  	[sflag:s11] =	ssyncadd.s32 $0xFFFFF600  }
0xe6: {  	[spmem:s1] =	stream.indirect.scatter.add.f32 [tilespmem:s13], [sflag:$0x1], $0x10, s2, s12, $0xb8;
	[tilespmem:$0x5710] =	vst v63  }
0xe7: {  	_ =	swait.ge [sflag:s14], $0x320  }
0xe8: {  	[sflag:s14] =	ssyncset.done $0x0  }
0xe9: {  	[sflag:s14] =	ssyncadd.s32 $0xFFFFFCE0  }
0xea: {  	[spmem:s1] =	stream.indirect.scatter.add.f32 [tilespmem:s13], [sflag:$0x1], $0x10, s15, s12, $0xb8;
	[tilespmem:$0x5710] =	vst v63  }
0xeb: {  	_ =	swait.ge [sflag:s14], $0x320  }
0xec: {  	[sflag:s14] =	ssyncset.done $0x0  }
0xed: {  	[sflag:s14] =	ssyncadd.s32 $0xFFFFFCE0  }
0xee: {  	[spmem:s1] =	stream.indirect.scatter.add.f32 [tilespmem:s13], [sflag:$0x1], $0x10, s16, s12, $0xb8;
	[tilespmem:$0x5710] =	vst v63  }
0xef: {  	_ =	swait.ge [sflag:s14], $0x320  }
0xf0: {  	[sflag:s14] =	ssyncset.done $0x0  }
0xf1: {  	[sflag:s14] =	ssyncadd.s32 $0xFFFFFCE0  }
0xf2: {  	[spmem:s1] =	stream.indirect.scatter.add.f32 [tilespmem:s13], [sflag:$0x1], $0x10, s17, s12, $0xb8;
	[tilespmem:$0x5710] =	vst v63  }
0xf3: {  	_ =	swait.ge [sflag:s14], $0x320  }
0xf4: {  	[sflag:s14] =	ssyncset.done $0x0  }
0xf5: {  	[sflag:s14] =	ssyncadd.s32 $0xFFFFFCE0  }
0xf6: {  	[spmem:s1] =	stream.indirect.scatter.add.f32 [tilespmem:s13], [sflag:$0x1], $0x10, s18, s12, $0xb8;
	[tilespmem:$0x5710] =	vst v63  }
0xf7: {  	_ =	swait.ge [sflag:s14], $0x320  }
0xf8: {  	[sflag:s14] =	ssyncset.done $0x0  }
0xf9: {  	[sflag:s14] =	ssyncadd.s32 $0xFFFFFCE0  }
0xfa: {  	[spmem:s1] =	stream.indirect.scatter.add.f32 [tilespmem:s13], [sflag:$0x1], $0x10, s19, s12, $0xb8;
	[tilespmem:$0x5710] =	vst v63  }
0xfb: {  	_ =	swait.ge [sflag:s14], $0x320  }
0xfc: {  	[sflag:s14] =	ssyncset.done $0x0  }
0xfd: {  	[sflag:s14] =	ssyncadd.s32 $0xFFFFFCE0  }
0xfe: {  	[spmem:s1] =	stream.indirect.scatter.add.f32 [tilespmem:s13], [sflag:$0x1], $0x10, s20, s12, $0xb8;
	[tilespmem:$0x5710] =	vst v63  }
0xff: {  	_ =	swait.ge [sflag:s14], $0x320  }
0x100: {  	[sflag:s14] =	ssyncset.done $0x0  }
0x101: {  	[sflag:s14] =	ssyncadd.s32 $0xFFFFFCE0  }
0x102: {  	[spmem:s1] =	stream.indirect.scatter.add.f32 [tilespmem:s13], [sflag:$0x1], $0x10, s21, s12, $0xb8;
	[tilespmem:$0x5710] =	vst v63  }
0x103: {  	_ =	swait.ge [sflag:s14], $0x320  }
0x104: {  	[sflag:s14] =	ssyncset.done $0x0  }
0x105: {  	[sflag:s14] =	ssyncadd.s32 $0xFFFFFCE0  }
0x106: {  	[spmem:s1] =	stream.indirect.scatter.add.f32 [tilespmem:s13], [sflag:$0x1], $0x10, s22, s12, $0xb8;
	[tilespmem:$0x5710] =	vst v63  }
0x107: {  	_ =	swait.ge [sflag:s14], $0x320  }
0x108: {  	[sflag:s14] =	ssyncset.done $0x0  }
0x109: {  	[sflag:s14] =	ssyncadd.s32 $0xFFFFFCE0  }
0x10a: {  	[spmem:s1] =	stream.indirect.scatter.add.f32 [tilespmem:s13], [sflag:$0x1], $0x10, s23, s12, $0xb8;
	[tilespmem:$0x5710] =	vst v63  }
0x10b: {  	_ =	swait.ge [sflag:s14], $0x320  }
0x10c: {  	[sflag:s14] =	ssyncset.done $0x0  }
0x10d: {  	[sflag:s14] =	ssyncadd.s32 $0xFFFFFCE0  }
0x10e: {  	[spmem:s1] =	stream.indirect.scatter.add.f32 [tilespmem:s13], [sflag:$0x1], $0x10, s24, s12, $0xb8;
	[tilespmem:$0x5710] =	vst v63  }
0x10f: {  	_ =	swait.ge [sflag:s14], $0x320  }
0x110: {  	[sflag:s14] =	ssyncset.done $0x0  }
0x111: {  	[sflag:s14] =	ssyncadd.s32 $0xFFFFFCE0  }
0x112: {  	[spmem:s1] =	stream.indirect.scatter.add.f32 [tilespmem:s13], [sflag:$0x1], $0x10, s26, s12, $0xb8;
	[tilespmem:$0x5710] =	vst v63  }
0x113: {  	_ =	swait.ge [sflag:s14], $0x320  }
0x114: {  	[sflag:s14] =	ssyncset.done $0x0  }
0x115: {  	[sflag:s14] =	ssyncadd.s32 $0xFFFFFCE0  }
0x116: {  	[spmem:s1] =	stream.indirect.scatter.add.f32 [tilespmem:s13], [sflag:$0x1], $0x10, s28, s12, $0xb8;
	[tilespmem:$0x5710] =	vst v63  }
0x117: {  	_ =	swait.ge [sflag:s14], $0x320  }
0x118: {  	[sflag:s14] =	ssyncset.done $0x0  }
0x119: {  	[sflag:s14] =	ssyncadd.s32 $0xFFFFFCE0  }
0x11a: {  	[spmem:s1] =	stream.indirect.scatter.add.f32 [tilespmem:s13], [sflag:$0x1], $0x10, s29, s12, $0xb8;
	[tilespmem:$0x5710] =	vst v63  }
0x11b: {  	_ =	swait.ge [sflag:s14], $0x320  }
0x11c: {  	[sflag:s14] =	ssyncset.done $0x0  }
0x11d: {  	[sflag:s14] =	ssyncadd.s32 $0xFFFFFCE0  }
0x11e: {  	[spmem:s1] =	stream.indirect.scatter.add.f32 [tilespmem:s13], [sflag:$0x1], $0x10, s30, s12, $0xb8;
	[tilespmem:$0x5710] =	vst v63  }
0x11f: {  	_ =	swait.ge [sflag:s14], $0x320  }
0x120: {  	[sflag:s14] =	ssyncset.done $0x0  }
0x121: {  	[sflag:s14] =	ssyncadd.s32 $0xFFFFFCE0  }
0x122: {  	[spmem:s1] =	stream.indirect.scatter.add.f32 [tilespmem:s13], [sflag:$0x1], $0x10, s31, s12, $0xb8;
	[tilespmem:$0x5710] =	vst v63  }
0x123: {  	_ =	swait.ge [sflag:s14], $0x320  }
0x124: {  	[sflag:s14] =	ssyncset.done $0x0  }
0x125: {  	[sflag:s14] =	ssyncadd.s32 $0xFFFFFCE0  }
0x126: {  	[spmem:s1] =	stream.indirect.scatter.add.f32 [tilespmem:s13], [sflag:$0x1], $0x10, s0, s12, $0xb8;
	[tilespmem:$0x5710] =	vst v63  }
0x127: {  	_ =	swait.ge [sflag:s14], $0x320  }
0x128: {  	[sflag:s14] =	ssyncset.done $0x0  }
0x129: {  	[sflag:s14] =	ssyncadd.s32 $0xFFFFFCE0  }
0x12a: {  	[spmem:s1] =	stream.indirect.scatter.add.f32 [tilespmem:s13], [sflag:$0x1], $0x10, s3, s12, $0xb8;
	[tilespmem:$0x5710] =	vst v63  }
0x12b: {  	_ =	swait.ge [sflag:s14], $0x320  }
0x12c: {  	[sflag:s14] =	ssyncset.done $0x0  }
0x12d: {  	[sflag:s14] =	ssyncadd.s32 $0xFFFFFCE0  }
0x12e: {  	[spmem:s1] =	stream.indirect.scatter.add.f32 [tilespmem:s13], [sflag:$0x1], $0x10, s6, s12, $0xb8;
	[tilespmem:$0x5710] =	vst v63  }
0x12f: {  	_ =	swait.ge [sflag:s14], $0x320  }
0x130: {  	[sflag:s14] =	ssyncset.done $0x0  }
0x131: {  	[sflag:s14] =	ssyncadd.s32 $0xFFFFFCE0  }
0x132: {  	[spmem:s1] =	stream.indirect.scatter.add.f32 [tilespmem:s13], [sflag:$0x1], $0x10, s7, s12, $0xb8;
	[tilespmem:$0x5710] =	vst v63  }
0x133: {  	_ =	swait.ge [sflag:s14], $0x320  }
0x134: {  	[sflag:s14] =	ssyncset.done $0x0  }
0x135: {  	[sflag:s14] =	ssyncadd.s32 $0xFFFFFCE0  }
0x136: {  	s25 =	stileid.u32;
	[bflag:$0x0] =	sbarrier.arrive $0xFFFF  }
0x137: {  	s4 =	sshll.u32 s25, $0x6;
	s25 =	rddreg [dreg:$0x4]  }
0x138: {  	s4 =	sor.u32 $0x1C02, s4;
	s8 =	rddreg [dreg:$0x5];
	s5 =	sshrl.u32 s25, $0x3  }
0x139: {  	[hbm:s8], [sflag:s4] =	dma.local [spmem:s5], $0x2700  }
0x13a: {  	_ =	swait.ge [sflag:s11], $0x2700  }
0x13b: {  	[sflag:s11] =	ssyncset.done $0x0;
	s5 =	rddreg [dreg:$0x6]  }
0x13c: {  	s8 =	rddreg [dreg:$0x8];
	[sflag:s11] =	ssyncadd.s32 $0xFFFFD900  }
0x13d: {  	[hbm:s5], [sflag:s4] =	dma.local @!p0 [spmem:s8], $0x100  }
0x13e: {  	s4 =	simm.s32 @!p0 $0x2  }
0x13f: {  	_ =	swait.ge @!p0 [sflag:s4], $0x100  }
0x140: {  	s5 =	rddreg [dreg:$0x9]  }
0x141: {  	s8 =	sadd.s32 $0x1, s5;
	s5 =	rddreg [dreg:$0x7]  }
0x142: {  	p1 =	sne.s32 s8, s5  }
.Ltmp4:
0x143: {  	_ = 	snop;
	(pc) =	sbr.rel @p1 .LBB2_1-.Ltmp4, $3  }
0x144: {  	_ =	sdelay $0x1  }
0x145: {  	[sflag:s4] =	ssyncset.done @!p0 $0x0  }
0x146: {  	[sflag:s4] =	ssyncadd.s32 @!p0 $0xFFFFFF00  }
0x147: {  	_ =	sfence.sel $0x180000  }
0x148: {  	[bflag:$0x0] =	sbarrier.arrive $0xFFFF  }
0x149: {  	_ =	strace $0x90000047  }
0x14a: {  	s0 =	stileid.u32;
	[bflag:$0x2] =	sbarrier.arrive $0xFFFF  }
0x14b: {  	p0 =	sne.s32 s0, $0x0;
	s0 =	rddreg [dreg:$0x2]  }
0x14c: {  	s0 =	sadd.s32 @!p0 $0x100000, s0  }
0x14d: {  	[sflag:s0] =	ssyncadd.tile.s32 @!p0 $0x1;
	_ =	shalt  }
.Lfunc_end2:
_tile_overlayer_lowered:
.L_overlay_start_2:
0x14e: {  	(tag) =	ssettag $0x2  }
0x14f: {  	s0 =	rddreg [dreg:$0x0];
	s2 =	stileid.u32  }
0x150: {  	s1 =	rddreg [dreg:$0x1];
	p0 =	sne.s32 s2, $0x0  }
0x151: {  	s3 =	rddreg [dreg:$0x2];
	[bflag:$0x3] =	sbarrier.arrive $0xFFFF;
	s2 =	simm.s32 @!p0 $0x1C02  }
0x152: {  	[timem:s3], [sflag:s2] =	dma.local @!p0 [hbm:s0], s1  }
0x153: {  	s0 =	simm.s32 @!p0 $0x2  }
0x154: {  	_ =	swait.ge @!p0 [sflag:s0], s1  }
0x155: {  	s1 =	ssub.s32 @!p0 $0x0, s1;
	[sflag:s0] =	ssyncset.done @!p0 $0x0  }
0x156: {  	[sflag:s0] =	ssyncadd.s32 @!p0 s1  }
0x157: {  	[bflag:$0x3] =	sbarrier.arrive $0xFFFF  }
0x158: {  	_ =	shalt  }

</sc_bundles>
